<compile_context>
chip_gen: v7x
topology: tpu7x:2x2x1
jax: 0.10.2.dev20260603
libtpu: 0.0.44.dev20260713+nightly
codegen_flags: <defaults>
</compile_context>

<pallas_src>
import functools

import jax
import jax.numpy as jnp
from jax import lax
from jax.experimental import pallas as pl
from jax.experimental.pallas import tpu as pltpu
from jax.experimental.pallas import tpu_sc as plsc

_H = 256
_Q = 300
_T = 64
_NB = 64.0
_SENTINEL = 1 << 17

_OFF_RP0 = 0
_OFF_RP1 = 300
_OFF_SRC = 608
_OFF_FN = 672
_OFF_FP = 688
_OFF_TB = 720
_PACKED = 1024


def _center_ids(pk, tidx):
    b0 = plsc.bitcast(plsc.load_gather(pk, [_OFF_TB + tidx * 4]), jnp.float32)
    b1 = plsc.bitcast(plsc.load_gather(pk, [_OFF_TB + tidx * 4 + 1]), jnp.float32)
    b2 = plsc.bitcast(plsc.load_gather(pk, [_OFF_TB + tidx * 4 + 2]), jnp.float32)
    b3 = plsc.bitcast(plsc.load_gather(pk, [_OFF_TB + tidx * 4 + 3]), jnp.float32)
    y = jnp.clip(((b3 + b1) * (_H / 2.0)).astype(jnp.int32), 0, _H - 1)
    x = jnp.clip(((b2 + b0) * (_H / 2.0)).astype(jnp.int32), 0, _H - 1)
    return y * _H + x


def _sc_body(packed_hbm, out_hbm, buf, ids, fbids, pk, outv, sem):
    cid = lax.axis_index("c")
    sid = lax.axis_index("s")

    @pl.when(jnp.logical_and(cid == 0, sid == 0))
    def _():
        pltpu.sync_copy(packed_hbm, pk)
        lane = lax.iota(jnp.int32, 16)

        def _point_ids(k, _):
            src_off = jnp.where(k < 4, _OFF_SRC + 16 * k, _OFF_FP - 64 + 16 * k)
            dst_off = jnp.where(k < 4, 16 * k, 16 * k + 16)
            s = pk[pl.ds(src_off, 16)]
            y = plsc.load_gather(pk, [s])
            x = plsc.load_gather(pk, [_OFF_RP1 + s])
            ids[pl.ds(dst_off, 16)] = y * _H + x
            return _

        lax.fori_loop(0, 6, _point_ids, 0, unroll=False)
        ids[pl.ds(64, 16)] = _center_ids(pk, pk[pl.ds(_OFF_FN, 16)])

        def _scatter(k, _):
            j = jnp.where(k < 2, k + 5, k - 2)
            plsc.store_scatter(buf, [ids[pl.ds(j * 16, 16)]], lane + 16 * j)
            return _

        lax.fori_loop(0, 7, _scatter, 0, unroll=False)

        def _winners(k, gsum):
            idv = ids[pl.ds(16 * k, 16)]
            win = plsc.load_gather(buf, [idv]) == (lane + 16 * k)
            outv[0, pl.ds(16 * k, 16)] = jnp.where(win, idv, _SENTINEL)
            return gsum + jnp.where(jnp.logical_and(win, k < 5), 1, 0)

        gsum = lax.fori_loop(0, 7, _winners, jnp.zeros((16,), jnp.int32),
                             unroll=False)

        def _fb_ids(k, _):
            fbids[pl.ds(16 * k, 16)] = _center_ids(pk, lane + 16 * k)
            return _

        lax.fori_loop(0, 4, _fb_ids, 0, unroll=False)

        def _fb_scatter(k, _):
            plsc.store_scatter(buf, [fbids[pl.ds(16 * k, 16)]], lane + 16 * k)
            return _

        lax.fori_loop(0, 4, _fb_scatter, 0, unroll=False)

        def _fb_winners(k, _):
            idv = fbids[pl.ds(16 * k, 16)]
            win = plsc.load_gather(buf, [idv]) == (lane + 16 * k)
            outv[1, pl.ds(16 * k, 16)] = jnp.where(win, idv, _SENTINEL)
            return _

        lax.fori_loop(0, 4, _fb_winners, 0, unroll=False)

        outv[0, pl.ds(112, 16)] = jnp.full((16,), _SENTINEL, jnp.int32)
        outv[1, pl.ds(64, 16)] = jnp.full((16,), jnp.sum(gsum), jnp.int32)

        def _src_copy(k, _):
            outv[2, pl.ds(16 * k, 16)] = pk[pl.ds(_OFF_SRC + 16 * k, 16)]
            return _

        lax.fori_loop(0, 4, _src_copy, 0, unroll=False)
        pltpu.sync_copy(outv, out_hbm)


_sc_call = functools.partial(
    pl.kernel,
    out_type=jax.ShapeDtypeStruct((8, 128), jnp.int32),
    mesh=plsc.VectorSubcoreMesh(core_axis_name="c", subcore_axis_name="s",
                                num_cores=1, num_subcores=16),
    scratch_types=[
        pltpu.VMEM((_H * _H,), jnp.int32),
        pltpu.VMEM((112,), jnp.int32),
        pltpu.VMEM((64,), jnp.int32),
        pltpu.VMEM((_PACKED,), jnp.int32),
        pltpu.VMEM((8, 128), jnp.int32),
        pltpu.SemaphoreType.DMA,
    ],
    compiler_params=pltpu.CompilerParams(needs_layout_passes=False),
)(_sc_body)


def _tc_body(cent_ref, pred_ref, tgt_ref, scout_ref, out_ref):
    c = cent_ref[0]
    sumsq = jnp.sum(c * c)

    sidx = scout_ref[2:3, 0:_T]
    oh = (lax.broadcasted_iota(jnp.int32, (_Q, _T), 0) == sidx).astype(jnp.float32)
    predT = jnp.transpose(pred_ref[0])
    srcT = jnp.dot(predT, oh, preferred_element_type=jnp.float32,
                   precision=lax.Precision.HIGHEST)
    tgtT = jnp.transpose(tgt_ref[...])

    loss_bbox = jnp.sum(jnp.abs(srcT - tgtT)) / _NB

    sx0, sy0, sx1, sy1 = srcT[0:1], srcT[1:2], srcT[2:3], srcT[3:4]
    tx0, ty0, tx1, ty1 = tgtT[0:1], tgtT[1:2], tgtT[2:3], tgtT[3:4]
    a1 = (sx1 - sx0) * (sy1 - sy0)
    a2 = (tx1 - tx0) * (ty1 - ty0)
    w = jnp.maximum(jnp.minimum(sx1, tx1) - jnp.maximum(sx0, tx0), 0.0)
    h = jnp.maximum(jnp.minimum(sy1, ty1) - jnp.maximum(sy0, ty0), 0.0)
    inter = w * h
    union = a1 + a2 - inter
    iou = inter / union
    hw = jnp.maximum(jnp.maximum(sx1, tx1) - jnp.minimum(sx0, tx0), 0.0)
    hh = jnp.maximum(jnp.maximum(sy1, ty1) - jnp.minimum(sy0, ty0), 0.0)
    hull = hw * hh
    giou = iou - (hull - union) / hull
    loss_giou = jnp.sum(1.0 - giou) / _NB

    enc = jnp.concatenate([scout_ref[0:1, 0:112], scout_ref[1:2, 0:_T]],
                          axis=1)
    ex = enc & (_H - 1)
    ey = lax.shift_right_logical(enc, 8)
    iota0 = lax.broadcasted_iota(jnp.int32, (_H, 176), 0)
    ohx = (iota0 == ex).astype(jnp.float32)
    ohy = (iota0 == ey).astype(jnp.float32)
    cx = jnp.dot(c, ohx, preferred_element_type=jnp.float32)
    v = jnp.sum(cx * ohy, axis=0, keepdims=True)
    wgt = (enc < _SENTINEL).astype(jnp.float32)
    pos = lax.broadcasted_iota(jnp.int32, (1, 176), 1)
    g = (pos < 80).astype(jnp.float32)
    is_main = pos < 112
    dv = v - g
    loss_main = jnp.sum(jnp.where(is_main, wgt * dv * dv, 0.0))
    fb_corr = jnp.sum(jnp.where(is_main, 0.0, wgt * (1.0 - 2.0 * v)))

    gsum = jnp.max(scout_ref[1:2, _T:_T + 16])
    loss_l2 = jnp.where(gsum < _T, sumsq + fb_corr, loss_main) / _NB

    out_ref[0] = loss_bbox
    out_ref[1] = loss_giou
    out_ref[2] = loss_l2


_tc_call = pl.pallas_call(
    _tc_body,
    out_shape=jax.ShapeDtypeStruct((3,), jnp.float32),
    out_specs=pl.BlockSpec(memory_space=pltpu.SMEM),
)


def kernel(pred_boxes, target_boxes, target_labels, centerness, ref_points, src_idx, tgt_idx, FN_idx, FP_idx):
    packed = jnp.concatenate([
        ref_points.astype(jnp.int32).reshape(-1),
        jnp.zeros((8,), jnp.int32),
        src_idx.astype(jnp.int32), FN_idx.astype(jnp.int32), FP_idx.astype(jnp.int32),
        lax.bitcast_convert_type(target_boxes, jnp.int32).reshape(-1),
        jnp.zeros((_PACKED - 976,), jnp.int32),
    ])
    scout = _sc_call(packed)
    return _tc_call(centerness, pred_boxes, target_boxes, scout)

# --- scband reference (transcript-rebuilt; emitter-appended) ---
"""Pipeline reference for scband-set-criterion-8280696946958 (READ-ONLY COPY).

The authoritative reference and input builder live on the scoring server;
editing this copy changes nothing except your own understanding.
"""

import jax, jax.numpy as jnp
import numpy as np


def _box_area(b):
    return (b[:, 2] - b[:, 0]) * (b[:, 3] - b[:, 1])


def _generalized_box_iou(boxes1, boxes2):
    area1 = _box_area(boxes1)
    area2 = _box_area(boxes2)
    lt = jnp.maximum(boxes1[:, None, :2], boxes2[None, :, :2])
    rb = jnp.minimum(boxes1[:, None, 2:], boxes2[None, :, 2:])
    wh = jnp.clip(rb - lt, 0.0)
    inter = wh[..., 0] * wh[..., 1]
    union = area1[:, None] + area2[None, :] - inter
    iou = inter / union
    lt2 = jnp.minimum(boxes1[:, None, :2], boxes2[None, :, :2])
    rb2 = jnp.maximum(boxes1[:, None, 2:], boxes2[None, :, 2:])
    wh2 = jnp.clip(rb2 - lt2, 0.0)
    area = wh2[..., 0] * wh2[..., 1]
    return iou - (area - union) / area


def _generate_centerness_gt(target_boxes, src_idx, FN_idx, FP_idx, centerness_shape, ref_points):
    H = centerness_shape[1]
    gt = jnp.zeros(centerness_shape, dtype=jnp.float32)
    mask = jnp.zeros(centerness_shape, dtype=jnp.float32)
    rp = jnp.transpose(ref_points)
    FP_locs = rp[FP_idx]
    mask = mask.at[0, FP_locs[:, 0], FP_locs[:, 1]].set(1.0)
    FN_bboxes = target_boxes[FN_idx] * H
    if FN_bboxes.shape[0] > 0:
        FN_y = jnp.clip(((FN_bboxes[:, 3] + FN_bboxes[:, 1]) / 2).astype(jnp.int32), 0, H - 1)
        FN_x = jnp.clip(((FN_bboxes[:, 2] + FN_bboxes[:, 0]) / 2).astype(jnp.int32), 0, H - 1)
        gt = gt.at[0, FN_y, FN_x].set(1.0)
        mask = mask.at[0, FN_y, FN_x].set(1.0)
    TP_locs = rp[src_idx]
    gt = gt.at[0, TP_locs[:, 0], TP_locs[:, 1]].set(1.0)
    mask = mask.at[0, TP_locs[:, 0], TP_locs[:, 1]].set(1.0)
    gt_fb = jnp.zeros(centerness_shape, dtype=jnp.float32)
    mask_fb = jnp.ones(centerness_shape, dtype=jnp.float32)
    B = target_boxes * H
    y = jnp.clip(((B[:, 3] + B[:, 1]) / 2).astype(jnp.int32), 0, H - 1)
    x = jnp.clip(((B[:, 2] + B[:, 0]) / 2).astype(jnp.int32), 0, H - 1)
    gt_fb = gt_fb.at[0, y, x].set(1.0)
    mask_fb = mask_fb.at[0, y, x].set(1.0)
    cond = gt.sum() < target_boxes.shape[0]
    gt = jnp.where(cond, gt_fb, gt)
    mask = jnp.where(cond, mask_fb, mask)
    return gt, mask


def setup_inputs(seed: int = 0):
    key = jax.random.key(seed)
    ks = jax.random.split(key, 12)
    Q, T, H = 300, 64, 256
    p1 = jax.random.uniform(ks[0], (1, Q, 2)) * 0.5
    p2 = p1 + jax.random.uniform(ks[1], (1, Q, 2)) * 0.5 + 0.01
    pred_boxes = jnp.concatenate([p1, p2], axis=-1)
    t1 = jax.random.uniform(ks[2], (T, 2)) * 0.5
    t2 = t1 + jax.random.uniform(ks[3], (T, 2)) * 0.5 + 0.01
    target_boxes = jnp.concatenate([t1, t2], axis=-1)
    target_labels = jax.random.randint(ks[4], (T,), 0, 91)
    centerness = jax.random.uniform(ks[5], (1, H, H))
    ref_points = jax.random.randint(ks[6], (2, Q), 0, H)
    src_idx = jax.random.permutation(ks[7], Q)[:T]
    tgt_idx = jnp.arange(T)
    FN_idx = jax.random.randint(ks[8], (16,), 0, T)
    FP_idx = jax.random.randint(ks[9], (32,), 0, Q)
    return {"pred_boxes": pred_boxes, "target_boxes": target_boxes, "target_labels": target_labels,
            "centerness": centerness, "ref_points": ref_points, "src_idx": src_idx,
            "tgt_idx": tgt_idx, "FN_idx": FN_idx, "FP_idx": FP_idx}


def reference(pred_boxes, target_boxes, target_labels, centerness, ref_points, src_idx, tgt_idx, FN_idx, FP_idx):
    num_boxes = float(max(int(target_labels.shape[0]), 1))
    gt, mask = _generate_centerness_gt(target_boxes, src_idx, FN_idx, FP_idx, centerness.shape, ref_points)
    # loss_boxes: gather matched predictions/targets via hungarian indices
    src_boxes = pred_boxes[0][src_idx]
    tgt_boxes = target_boxes[tgt_idx]
    loss_bbox = jnp.abs(src_boxes - tgt_boxes).sum() / num_boxes
    giou = _generalized_box_iou(src_boxes, tgt_boxes)
    loss_giou = (1.0 - jnp.diagonal(giou)).sum() / num_boxes
    # ce_loss (masked L2 on centerness): sum over masked elems == masked-indexing sum
    m = (mask > 0).astype(jnp.float32)
    loss_l2 = (((centerness - gt) ** 2) * m).sum() / num_boxes
    return jnp.stack([loss_bbox, loss_giou, loss_l2])

if __name__ == "__main__":
    import jax
    _d = setup_inputs()
    print(jax.jit(kernel)(*tuple(_d.values())))

</pallas_src>

<mosaic_0001>
#map = affine_map<(d0, d1) -> (0)>
#map1 = affine_map<(d0, d1) -> (0, 0)>
module attributes {stable_mosaic.version = 14 : i64} {
  func.func @_sc_body(%arg0: i32, %arg1: i32, %arg2: memref<1024xi32, #tpu.memory_space<hbm>>, %arg3: memref<8x128xi32, #tpu.memory_space<hbm>>, %arg4: memref<65536xi32, #tpu.memory_space<vmem>>, %arg5: memref<112xi32, #tpu.memory_space<vmem>>, %arg6: memref<64xi32, #tpu.memory_space<vmem>>, %arg7: memref<1024xi32, #tpu.memory_space<vmem>>, %arg8: memref<8x128xi32, #tpu.memory_space<vmem>>, %arg9: memref<!tpu.dma_semaphore, #tpu.memory_space<semaphore_mem>>) attributes {dimension_semantics = [#tpu.dimension_semantics<core_parallel>, #tpu.dimension_semantics<subcore_parallel>], iteration_bounds = array<i64: 1, 16>, scalar_prefetch = 0 : i64, scratch_operands = 6 : i64, tpu.core_type = #tpu.core_type<sc_vector_subcore>, window_params = [{transform_indices = #map}, {transform_indices = #map1}]} {
    %eq3A = arith.constant 0 : i32
    %eq3A_0 = arith.cmpi eq, %arg0, %eq3A : i32
    %eq3A_1 = arith.constant 0 : i32
    %eq3A_2 = arith.cmpi eq, %arg1, %eq3A_1 : i32
    %and3A = arith.andi %eq3A_0, %eq3A_2 : i1
    %convert_element_type3A = arith.extui %and3A : i1 to i32
    %cond3A = arith.constant 0 : i32
    %cond3A_3 = arith.cmpi ne, %convert_element_type3A, %cond3A : i32
    scf.if %cond3A_3 {
      "tpu.region"() ({
        %run_scoped3A = tpu.sem_alloc : memref<!tpu.dma_semaphore, #tpu.memory_space<semaphore_mem>>
        tpu.enqueue_dma source(%arg2 : memref<1024xi32, #tpu.memory_space<hbm>>) target(%arg7 : memref<1024xi32, #tpu.memory_space<vmem>>) target_semaphore(%run_scoped3A : memref<!tpu.dma_semaphore, #tpu.memory_space<semaphore_mem>>)
        tpu.wait_dma2 semaphore(%run_scoped3A : memref<!tpu.dma_semaphore, #tpu.memory_space<semaphore_mem>>) src(%arg2 : memref<1024xi32, #tpu.memory_space<hbm>>) dst(%arg7 : memref<1024xi32, #tpu.memory_space<vmem>>)
        tpu.yield
      }) : () -> ()
      %iota3A = tpu.iota {dimensions = array<i32: 0>} : vector<16xi32>
      %scan3A = arith.constant 0 : i32
      %scan3A_4 = arith.constant 0 : i32
      %scan3A_5 = arith.constant 6 : i32
      %scan3A_6 = arith.addi %scan3A_4, %scan3A_5 : i32
      %scan3A_7 = arith.constant 1 : i32
      scf.for %scan3A_122 = %scan3A_4 to %scan3A_6 step %scan3A_7  : i32 {
        %lt3A = arith.constant 4 : i32
        %lt3A_123 = arith.cmpi slt, %scan3A_122, %lt3A : i32
        %mul3A_124 = arith.constant 16 : i32
        %mul3A_125 = arith.muli %mul3A_124, %scan3A_122 : i32
        %add3A_126 = arith.constant 608 : i32
        %add3A_127 = arith.addi %add3A_126, %mul3A_125 : i32
        %mul3A_128 = arith.constant 16 : i32
        %mul3A_129 = arith.muli %mul3A_128, %scan3A_122 : i32
        %add3A_130 = arith.constant 624 : i32
        %add3A_131 = arith.addi %add3A_130, %mul3A_129 : i32
        %select_n3A = arith.select %lt3A_123, %add3A_127, %add3A_131 : i32
        %lt3A_132 = arith.constant 4 : i32
        %lt3A_133 = arith.cmpi slt, %scan3A_122, %lt3A_132 : i32
        %mul3A_134 = arith.constant 16 : i32
        %mul3A_135 = arith.muli %mul3A_134, %scan3A_122 : i32
        %mul3A_136 = arith.constant 16 : i32
        %mul3A_137 = arith.muli %mul3A_136, %scan3A_122 : i32
        %add3A_138 = arith.constant 16 : i32
        %add3A_139 = arith.addi %mul3A_137, %add3A_138 : i32
        %select_n3A_140 = arith.select %lt3A_133, %mul3A_135, %add3A_139 : i32
        %get3A_141 = arith.index_cast %select_n3A : i32 to index
        %get3A_142 = tpu.vector_load %arg7[%get3A_141] {strides = array<i32>} : memref<1024xi32, #tpu.memory_space<vmem>>, vector<16xi32>,
        %gather3A_143 = tpu.vector_load_idx %arg7[%get3A_142] : memref<1024xi32, #tpu.memory_space<vmem>>[vector<16xi32>], vector<16xi32>,
        %add3A_144 = arith.constant 300 : i32
        %add3A_145 = vector.broadcast %add3A_144 : i32 to vector<16xi32>
        %add3A_146 = arith.addi %add3A_145, %get3A_142 : vector<16xi32>
        %gather3A_147 = tpu.vector_load_idx %arg7[%add3A_146] : memref<1024xi32, #tpu.memory_space<vmem>>[vector<16xi32>], vector<16xi32>,
        %mul3A_148 = arith.constant 256 : i32
        %mul3A_149 = vector.broadcast %mul3A_148 : i32 to vector<16xi32>
        %mul3A_150 = arith.muli %gather3A_143, %mul3A_149 : vector<16xi32>
        %add3A_151 = arith.addi %mul3A_150, %gather3A_147 : vector<16xi32>
        %swap3A_152 = arith.index_cast %select_n3A_140 : i32 to index
        %swap3A_153 = tpu.vector_load %arg5[%swap3A_152] {strides = array<i32>} : memref<112xi32, #tpu.memory_space<vmem>>, vector<16xi32>,
        tpu.vector_store %arg5[%swap3A_152], %add3A_151 {strides = array<i32>} : memref<112xi32, #tpu.memory_space<vmem>>, vector<16xi32>,
      }
      %scan3A_8 = arith.constant 6 : i32
      %get3A = arith.constant 672 : index
      %get3A_9 = tpu.vector_load %arg7[%get3A] {strides = array<i32>} : memref<1024xi32, #tpu.memory_space<vmem>>, vector<16xi32>,
      %mul3A = arith.constant 4 : i32
      %mul3A_10 = vector.broadcast %mul3A : i32 to vector<16xi32>
      %mul3A_11 = arith.muli %get3A_9, %mul3A_10 : vector<16xi32>
      %add3A = arith.constant 720 : i32
      %add3A_12 = vector.broadcast %add3A : i32 to vector<16xi32>
      %add3A_13 = arith.addi %add3A_12, %mul3A_11 : vector<16xi32>
      %gather3A = tpu.vector_load_idx %arg7[%add3A_13] : memref<1024xi32, #tpu.memory_space<vmem>>[vector<16xi32>], vector<16xi32>,
      %bitcast3A = vector.bitcast %gather3A : vector<16xi32> to vector<16xf32>
      %mul3A_14 = arith.constant 4 : i32
      %mul3A_15 = vector.broadcast %mul3A_14 : i32 to vector<16xi32>
      %mul3A_16 = arith.muli %get3A_9, %mul3A_15 : vector<16xi32>
      %add3A_17 = arith.constant 720 : i32
      %add3A_18 = vector.broadcast %add3A_17 : i32 to vector<16xi32>
      %add3A_19 = arith.addi %add3A_18, %mul3A_16 : vector<16xi32>
      %add3A_20 = arith.constant 1 : i32
      %add3A_21 = vector.broadcast %add3A_20 : i32 to vector<16xi32>
      %add3A_22 = arith.addi %add3A_19, %add3A_21 : vector<16xi32>
      %gather3A_23 = tpu.vector_load_idx %arg7[%add3A_22] : memref<1024xi32, #tpu.memory_space<vmem>>[vector<16xi32>], vector<16xi32>,
      %bitcast3A_24 = vector.bitcast %gather3A_23 : vector<16xi32> to vector<16xf32>
      %mul3A_25 = arith.constant 4 : i32
      %mul3A_26 = vector.broadcast %mul3A_25 : i32 to vector<16xi32>
      %mul3A_27 = arith.muli %get3A_9, %mul3A_26 : vector<16xi32>
      %add3A_28 = arith.constant 720 : i32
      %add3A_29 = vector.broadcast %add3A_28 : i32 to vector<16xi32>
      %add3A_30 = arith.addi %add3A_29, %mul3A_27 : vector<16xi32>
      %add3A_31 = arith.constant 2 : i32
      %add3A_32 = vector.broadcast %add3A_31 : i32 to vector<16xi32>
      %add3A_33 = arith.addi %add3A_30, %add3A_32 : vector<16xi32>
      %gather3A_34 = tpu.vector_load_idx %arg7[%add3A_33] : memref<1024xi32, #tpu.memory_space<vmem>>[vector<16xi32>], vector<16xi32>,
      %bitcast3A_35 = vector.bitcast %gather3A_34 : vector<16xi32> to vector<16xf32>
      %mul3A_36 = arith.constant 4 : i32
      %mul3A_37 = vector.broadcast %mul3A_36 : i32 to vector<16xi32>
      %mul3A_38 = arith.muli %get3A_9, %mul3A_37 : vector<16xi32>
      %add3A_39 = arith.constant 720 : i32
      %add3A_40 = vector.broadcast %add3A_39 : i32 to vector<16xi32>
      %add3A_41 = arith.addi %add3A_40, %mul3A_38 : vector<16xi32>
      %add3A_42 = arith.constant 3 : i32
      %add3A_43 = vector.broadcast %add3A_42 : i32 to vector<16xi32>
      %add3A_44 = arith.addi %add3A_41, %add3A_43 : vector<16xi32>
      %gather3A_45 = tpu.vector_load_idx %arg7[%add3A_44] : memref<1024xi32, #tpu.memory_space<vmem>>[vector<16xi32>], vector<16xi32>,
      %bitcast3A_46 = vector.bitcast %gather3A_45 : vector<16xi32> to vector<16xf32>
      %add3A_47 = arith.addf %bitcast3A_46, %bitcast3A_24 : vector<16xf32>
      %mul3A_48 = arith.constant 1.280000e+02 : f32
      %mul3A_49 = vector.broadcast %mul3A_48 : f32 to vector<16xf32>
      %mul3A_50 = arith.mulf %add3A_47, %mul3A_49 : vector<16xf32>
      %convert_element_type3A_51 = arith.fptosi %mul3A_50 : vector<16xf32> to vector<16xi32>
      %jit3A = arith.constant 0 : i32
      %jit3A_52 = arith.constant 255 : i32
      %max3A = vector.broadcast %jit3A : i32 to vector<16xi32>
      %max3A_53 = arith.maxsi %max3A, %convert_element_type3A_51 : vector<16xi32>
      %min3A = vector.broadcast %jit3A_52 : i32 to vector<16xi32>
      %min3A_54 = arith.minsi %min3A, %max3A_53 : vector<16xi32>
      %add3A_55 = arith.addf %bitcast3A_35, %bitcast3A : vector<16xf32>
      %mul3A_56 = arith.constant 1.280000e+02 : f32
      %mul3A_57 = vector.broadcast %mul3A_56 : f32 to vector<16xf32>
      %mul3A_58 = arith.mulf %add3A_55, %mul3A_57 : vector<16xf32>
      %convert_element_type3A_59 = arith.fptosi %mul3A_58 : vector<16xf32> to vector<16xi32>
      %jit3A_60 = arith.constant 0 : i32
      %jit3A_61 = arith.constant 255 : i32
      %max3A_62 = vector.broadcast %jit3A_60 : i32 to vector<16xi32>
      %max3A_63 = arith.maxsi %max3A_62, %convert_element_type3A_59 : vector<16xi32>
      %min3A_64 = vector.broadcast %jit3A_61 : i32 to vector<16xi32>
      %min3A_65 = arith.minsi %min3A_64, %max3A_63 : vector<16xi32>
      %mul3A_66 = arith.constant 256 : i32
      %mul3A_67 = vector.broadcast %mul3A_66 : i32 to vector<16xi32>
      %mul3A_68 = arith.muli %min3A_54, %mul3A_67 : vector<16xi32>
      %add3A_69 = arith.addi %mul3A_68, %min3A_65 : vector<16xi32>
      %swap3A = arith.constant 64 : index
      %swap3A_70 = tpu.vector_load %arg5[%swap3A] {strides = array<i32>} : memref<112xi32, #tpu.memory_space<vmem>>, vector<16xi32>,
      tpu.vector_store %arg5[%swap3A], %add3A_69 {strides = array<i32>} : memref<112xi32, #tpu.memory_space<vmem>>, vector<16xi32>,
      %scan3A_71 = arith.constant 0 : i32
      %scan3A_72 = arith.constant 0 : i32
      %scan3A_73 = arith.constant 7 : i32
      %scan3A_74 = arith.addi %scan3A_72, %scan3A_73 : i32
      %scan3A_75 = arith.constant 1 : i32
      scf.for %scan3A_122 = %scan3A_72 to %scan3A_74 step %scan3A_75  : i32 {
        %lt3A = arith.constant 2 : i32
        %lt3A_123 = arith.cmpi slt, %scan3A_122, %lt3A : i32
        %add3A_124 = arith.constant 5 : i32
        %add3A_125 = arith.addi %scan3A_122, %add3A_124 : i32
        %sub3A = arith.constant 2 : i32
        %sub3A_126 = arith.subi %scan3A_122, %sub3A : i32
        %select_n3A = arith.select %lt3A_123, %add3A_125, %sub3A_126 : i32
        %mul3A_127 = arith.constant 16 : i32
        %mul3A_128 = arith.muli %select_n3A, %mul3A_127 : i32
        %get3A_129 = arith.index_cast %mul3A_128 : i32 to index
        %get3A_130 = tpu.vector_load %arg5[%get3A_129] {strides = array<i32>} : memref<112xi32, #tpu.memory_space<vmem>>, vector<16xi32>,
        %mul3A_131 = arith.constant 16 : i32
        %mul3A_132 = arith.muli %mul3A_131, %select_n3A : i32
        %add3A_133 = vector.broadcast %mul3A_132 : i32 to vector<16xi32>
        %add3A_134 = arith.addi %iota3A, %add3A_133 : vector<16xi32>
        tpu.vector_store_idx %arg4[%get3A_130], %add3A_134 : memref<65536xi32, #tpu.memory_space<vmem>>[vector<16xi32>], vector<16xi32>,
      }
      %scan3A_76 = arith.constant 7 : i32
      %broadcast_in_dim3A = arith.constant 0 : i32
      %broadcast_in_dim3A_77 = vector.broadcast %broadcast_in_dim3A : i32 to vector<16xi32>
      %scan3A_78 = arith.constant 0 : i32
      %scan3A_79 = arith.constant 7 : i32
      %scan3A_80 = arith.addi %scan3A_78, %scan3A_79 : i32
      %scan3A_81 = arith.constant 1 : i32
      %scan3A_82 = scf.for %scan3A_122 = %scan3A_78 to %scan3A_80 step %scan3A_81 iter_args(%scan3A_123 = %broadcast_in_dim3A_77) -> (vector<16xi32>)  : i32 {
        %mul3A_124 = arith.constant 16 : i32
        %mul3A_125 = arith.muli %mul3A_124, %scan3A_122 : i32
        %get3A_126 = arith.index_cast %mul3A_125 : i32 to index
        %get3A_127 = tpu.vector_load %arg5[%get3A_126] {strides = array<i32>} : memref<112xi32, #tpu.memory_space<vmem>>, vector<16xi32>,
        %gather3A_128 = tpu.vector_load_idx %arg4[%get3A_127] : memref<65536xi32, #tpu.memory_space<vmem>>[vector<16xi32>], vector<16xi32>,
        %mul3A_129 = arith.constant 16 : i32
        %mul3A_130 = arith.muli %mul3A_129, %scan3A_122 : i32
        %add3A_131 = vector.broadcast %mul3A_130 : i32 to vector<16xi32>
        %add3A_132 = arith.addi %iota3A, %add3A_131 : vector<16xi32>
        %eq3A_133 = arith.cmpi eq, %gather3A_128, %add3A_132 : vector<16xi32>
        %jit3A_134 = arith.constant 131072 : i32
        %broadcast_in_dim3A_135 = vector.broadcast %jit3A_134 : i32 to vector<16xi32>
        %select_n3A = arith.select %eq3A_133, %get3A_127, %broadcast_in_dim3A_135 : vector<16xi1>, vector<16xi32>
        %mul3A_136 = arith.constant 16 : i32
        %mul3A_137 = arith.muli %mul3A_136, %scan3A_122 : i32
        %swap3A_138 = arith.constant 0 : i32
        %swap3A_139 = arith.index_cast %swap3A_138 : i32 to index
        %swap3A_140 = arith.index_cast %mul3A_137 : i32 to index
        %swap3A_141 = tpu.vector_load %arg8[%swap3A_139, %swap3A_140] {strides = array<i32>} : memref<8x128xi32, #tpu.memory_space<vmem>>, vector<16xi32>,
        tpu.vector_store %arg8[%swap3A_139, %swap3A_140], %select_n3A {strides = array<i32>} : memref<8x128xi32, #tpu.memory_space<vmem>>, vector<16xi32>,
        %lt3A = arith.constant 5 : i32
        %lt3A_142 = arith.cmpi slt, %scan3A_122, %lt3A : i32
        %and3A_143 = vector.broadcast %lt3A_142 : i1 to vector<16xi1>
        %and3A_144 = arith.andi %eq3A_133, %and3A_143 : vector<16xi1>
        %jit3A_145 = arith.constant 1 : i32
        %jit3A_146 = arith.constant 0 : i32
        %broadcast_in_dim3A_147 = vector.broadcast %jit3A_145 : i32 to vector<16xi32>
        %broadcast_in_dim3A_148 = vector.broadcast %jit3A_146 : i32 to vector<16xi32>
        %select_n3A_149 = arith.select %and3A_144, %broadcast_in_dim3A_147, %broadcast_in_dim3A_148 : vector<16xi1>, vector<16xi32>
        %add3A_150 = arith.addi %scan3A_123, %select_n3A_149 : vector<16xi32>
        scf.yield %add3A_150 : vector<16xi32>
      }
      %scan3A_83 = arith.constant 7 : i32
      %scan3A_84 = arith.constant 0 : i32
      %scan3A_85 = arith.constant 0 : i32
      %scan3A_86 = arith.constant 4 : i32
      %scan3A_87 = arith.addi %scan3A_85, %scan3A_86 : i32
      %scan3A_88 = arith.constant 1 : i32
      scf.for %scan3A_122 = %scan3A_85 to %scan3A_87 step %scan3A_88  : i32 {
        %mul3A_123 = arith.constant 16 : i32
        %mul3A_124 = arith.muli %mul3A_123, %scan3A_122 : i32
        %add3A_125 = vector.broadcast %mul3A_124 : i32 to vector<16xi32>
        %add3A_126 = arith.addi %iota3A, %add3A_125 : vector<16xi32>
        %mul3A_127 = arith.constant 4 : i32
        %mul3A_128 = vector.broadcast %mul3A_127 : i32 to vector<16xi32>
        %mul3A_129 = arith.muli %add3A_126, %mul3A_128 : vector<16xi32>
        %add3A_130 = arith.constant 720 : i32
        %add3A_131 = vector.broadcast %add3A_130 : i32 to vector<16xi32>
        %add3A_132 = arith.addi %add3A_131, %mul3A_129 : vector<16xi32>
        %gather3A_133 = tpu.vector_load_idx %arg7[%add3A_132] : memref<1024xi32, #tpu.memory_space<vmem>>[vector<16xi32>], vector<16xi32>,
        %bitcast3A_134 = vector.bitcast %gather3A_133 : vector<16xi32> to vector<16xf32>
        %mul3A_135 = arith.constant 4 : i32
        %mul3A_136 = vector.broadcast %mul3A_135 : i32 to vector<16xi32>
        %mul3A_137 = arith.muli %add3A_126, %mul3A_136 : vector<16xi32>
        %add3A_138 = arith.constant 720 : i32
        %add3A_139 = vector.broadcast %add3A_138 : i32 to vector<16xi32>
        %add3A_140 = arith.addi %add3A_139, %mul3A_137 : vector<16xi32>
        %add3A_141 = arith.constant 1 : i32
        %add3A_142 = vector.broadcast %add3A_141 : i32 to vector<16xi32>
        %add3A_143 = arith.addi %add3A_140, %add3A_142 : vector<16xi32>
        %gather3A_144 = tpu.vector_load_idx %arg7[%add3A_143] : memref<1024xi32, #tpu.memory_space<vmem>>[vector<16xi32>], vector<16xi32>,
        %bitcast3A_145 = vector.bitcast %gather3A_144 : vector<16xi32> to vector<16xf32>
        %mul3A_146 = arith.constant 4 : i32
        %mul3A_147 = vector.broadcast %mul3A_146 : i32 to vector<16xi32>
        %mul3A_148 = arith.muli %add3A_126, %mul3A_147 : vector<16xi32>
        %add3A_149 = arith.constant 720 : i32
        %add3A_150 = vector.broadcast %add3A_149 : i32 to vector<16xi32>
        %add3A_151 = arith.addi %add3A_150, %mul3A_148 : vector<16xi32>
        %add3A_152 = arith.constant 2 : i32
        %add3A_153 = vector.broadcast %add3A_152 : i32 to vector<16xi32>
        %add3A_154 = arith.addi %add3A_151, %add3A_153 : vector<16xi32>
        %gather3A_155 = tpu.vector_load_idx %arg7[%add3A_154] : memref<1024xi32, #tpu.memory_space<vmem>>[vector<16xi32>], vector<16xi32>,
        %bitcast3A_156 = vector.bitcast %gather3A_155 : vector<16xi32> to vector<16xf32>
        %mul3A_157 = arith.constant 4 : i32
        %mul3A_158 = vector.broadcast %mul3A_157 : i32 to vector<16xi32>
        %mul3A_159 = arith.muli %add3A_126, %mul3A_158 : vector<16xi32>
        %add3A_160 = arith.constant 720 : i32
        %add3A_161 = vector.broadcast %add3A_160 : i32 to vector<16xi32>
        %add3A_162 = arith.addi %add3A_161, %mul3A_159 : vector<16xi32>
        %add3A_163 = arith.constant 3 : i32
        %add3A_164 = vector.broadcast %add3A_163 : i32 to vector<16xi32>
        %add3A_165 = arith.addi %add3A_162, %add3A_164 : vector<16xi32>
        %gather3A_166 = tpu.vector_load_idx %arg7[%add3A_165] : memref<1024xi32, #tpu.memory_space<vmem>>[vector<16xi32>], vector<16xi32>,
        %bitcast3A_167 = vector.bitcast %gather3A_166 : vector<16xi32> to vector<16xf32>
        %add3A_168 = arith.addf %bitcast3A_167, %bitcast3A_145 : vector<16xf32>
        %mul3A_169 = arith.constant 1.280000e+02 : f32
        %mul3A_170 = vector.broadcast %mul3A_169 : f32 to vector<16xf32>
        %mul3A_171 = arith.mulf %add3A_168, %mul3A_170 : vector<16xf32>
        %convert_element_type3A_172 = arith.fptosi %mul3A_171 : vector<16xf32> to vector<16xi32>
        %jit3A_173 = arith.constant 0 : i32
        %jit3A_174 = arith.constant 255 : i32
        %max3A_175 = vector.broadcast %jit3A_173 : i32 to vector<16xi32>
        %max3A_176 = arith.maxsi %max3A_175, %convert_element_type3A_172 : vector<16xi32>
        %min3A_177 = vector.broadcast %jit3A_174 : i32 to vector<16xi32>
        %min3A_178 = arith.minsi %min3A_177, %max3A_176 : vector<16xi32>
        %add3A_179 = arith.addf %bitcast3A_156, %bitcast3A_134 : vector<16xf32>
        %mul3A_180 = arith.constant 1.280000e+02 : f32
        %mul3A_181 = vector.broadcast %mul3A_180 : f32 to vector<16xf32>
        %mul3A_182 = arith.mulf %add3A_179, %mul3A_181 : vector<16xf32>
        %convert_element_type3A_183 = arith.fptosi %mul3A_182 : vector<16xf32> to vector<16xi32>
        %jit3A_184 = arith.constant 0 : i32
        %jit3A_185 = arith.constant 255 : i32
        %max3A_186 = vector.broadcast %jit3A_184 : i32 to vector<16xi32>
        %max3A_187 = arith.maxsi %max3A_186, %convert_element_type3A_183 : vector<16xi32>
        %min3A_188 = vector.broadcast %jit3A_185 : i32 to vector<16xi32>
        %min3A_189 = arith.minsi %min3A_188, %max3A_187 : vector<16xi32>
        %mul3A_190 = arith.constant 256 : i32
        %mul3A_191 = vector.broadcast %mul3A_190 : i32 to vector<16xi32>
        %mul3A_192 = arith.muli %min3A_178, %mul3A_191 : vector<16xi32>
        %add3A_193 = arith.addi %mul3A_192, %min3A_189 : vector<16xi32>
        %mul3A_194 = arith.constant 16 : i32
        %mul3A_195 = arith.muli %mul3A_194, %scan3A_122 : i32
        %swap3A_196 = arith.index_cast %mul3A_195 : i32 to index
        %swap3A_197 = tpu.vector_load %arg6[%swap3A_196] {strides = array<i32>} : memref<64xi32, #tpu.memory_space<vmem>>, vector<16xi32>,
        tpu.vector_store %arg6[%swap3A_196], %add3A_193 {strides = array<i32>} : memref<64xi32, #tpu.memory_space<vmem>>, vector<16xi32>,
      }
      %scan3A_89 = arith.constant 4 : i32
      %scan3A_90 = arith.constant 0 : i32
      %scan3A_91 = arith.constant 0 : i32
      %scan3A_92 = arith.constant 4 : i32
      %scan3A_93 = arith.addi %scan3A_91, %scan3A_92 : i32
      %scan3A_94 = arith.constant 1 : i32
      scf.for %scan3A_122 = %scan3A_91 to %scan3A_93 step %scan3A_94  : i32 {
        %mul3A_123 = arith.constant 16 : i32
        %mul3A_124 = arith.muli %mul3A_123, %scan3A_122 : i32
        %get3A_125 = arith.index_cast %mul3A_124 : i32 to index
        %get3A_126 = tpu.vector_load %arg6[%get3A_125] {strides = array<i32>} : memref<64xi32, #tpu.memory_space<vmem>>, vector<16xi32>,
        %mul3A_127 = arith.constant 16 : i32
        %mul3A_128 = arith.muli %mul3A_127, %scan3A_122 : i32
        %add3A_129 = vector.broadcast %mul3A_128 : i32 to vector<16xi32>
        %add3A_130 = arith.addi %iota3A, %add3A_129 : vector<16xi32>
        tpu.vector_store_idx %arg4[%get3A_126], %add3A_130 : memref<65536xi32, #tpu.memory_space<vmem>>[vector<16xi32>], vector<16xi32>,
      }
      %scan3A_95 = arith.constant 4 : i32
      %scan3A_96 = arith.constant 0 : i32
      %scan3A_97 = arith.constant 0 : i32
      %scan3A_98 = arith.constant 4 : i32
      %scan3A_99 = arith.addi %scan3A_97, %scan3A_98 : i32
      %scan3A_100 = arith.constant 1 : i32
      scf.for %scan3A_122 = %scan3A_97 to %scan3A_99 step %scan3A_100  : i32 {
        %mul3A_123 = arith.constant 16 : i32
        %mul3A_124 = arith.muli %mul3A_123, %scan3A_122 : i32
        %get3A_125 = arith.index_cast %mul3A_124 : i32 to index
        %get3A_126 = tpu.vector_load %arg6[%get3A_125] {strides = array<i32>} : memref<64xi32, #tpu.memory_space<vmem>>, vector<16xi32>,
        %gather3A_127 = tpu.vector_load_idx %arg4[%get3A_126] : memref<65536xi32, #tpu.memory_space<vmem>>[vector<16xi32>], vector<16xi32>,
        %mul3A_128 = arith.constant 16 : i32
        %mul3A_129 = arith.muli %mul3A_128, %scan3A_122 : i32
        %add3A_130 = vector.broadcast %mul3A_129 : i32 to vector<16xi32>
        %add3A_131 = arith.addi %iota3A, %add3A_130 : vector<16xi32>
        %eq3A_132 = arith.cmpi eq, %gather3A_127, %add3A_131 : vector<16xi32>
        %jit3A_133 = arith.constant 131072 : i32
        %broadcast_in_dim3A_134 = vector.broadcast %jit3A_133 : i32 to vector<16xi32>
        %select_n3A = arith.select %eq3A_132, %get3A_126, %broadcast_in_dim3A_134 : vector<16xi1>, vector<16xi32>
        %mul3A_135 = arith.constant 16 : i32
        %mul3A_136 = arith.muli %mul3A_135, %scan3A_122 : i32
        %swap3A_137 = arith.constant 1 : i32
        %swap3A_138 = arith.index_cast %swap3A_137 : i32 to index
        %swap3A_139 = arith.index_cast %mul3A_136 : i32 to index
        %swap3A_140 = tpu.vector_load %arg8[%swap3A_138, %swap3A_139] {strides = array<i32>} : memref<8x128xi32, #tpu.memory_space<vmem>>, vector<16xi32>,
        tpu.vector_store %arg8[%swap3A_138, %swap3A_139], %select_n3A {strides = array<i32>} : memref<8x128xi32, #tpu.memory_space<vmem>>, vector<16xi32>,
      }
      %scan3A_101 = arith.constant 4 : i32
      %broadcast_in_dim3A_102 = arith.constant 131072 : i32
      %broadcast_in_dim3A_103 = vector.broadcast %broadcast_in_dim3A_102 : i32 to vector<16xi32>
      %swap3A_104 = arith.constant 0 : i32
      %swap3A_105 = arith.index_cast %swap3A_104 : i32 to index
      %swap3A_106 = arith.constant 112 : index
      %swap3A_107 = tpu.vector_load %arg8[%swap3A_105, %swap3A_106] {strides = array<i32>} : memref<8x128xi32, #tpu.memory_space<vmem>>, vector<16xi32>,
      tpu.vector_store %arg8[%swap3A_105, %swap3A_106], %broadcast_in_dim3A_103 {strides = array<i32>} : memref<8x128xi32, #tpu.memory_space<vmem>>, vector<16xi32>,
      %reduce_sum3A = arith.constant true
      %reduce_sum3A_108 = vector.broadcast %reduce_sum3A : i1 to vector<16xi1>
      %reduce_sum3A_109 = tpu.scan <sum>, %scan3A_82 masked %reduce_sum3A_108 : vector<16xi32>, vector<16xi1> -> vector<16xi32>
      %reduce_sum3A_110 = vector.extract %reduce_sum3A_109[15] : i32 from vector<16xi32>
      %broadcast_in_dim3A_111 = vector.broadcast %reduce_sum3A_110 : i32 to vector<16xi32>
      %swap3A_112 = arith.constant 1 : i32
      %swap3A_113 = arith.index_cast %swap3A_112 : i32 to index
      %swap3A_114 = arith.constant 64 : index
      %swap3A_115 = tpu.vector_load %arg8[%swap3A_113, %swap3A_114] {strides = array<i32>} : memref<8x128xi32, #tpu.memory_space<vmem>>, vector<16xi32>,
      tpu.vector_store %arg8[%swap3A_113, %swap3A_114], %broadcast_in_dim3A_111 {strides = array<i32>} : memref<8x128xi32, #tpu.memory_space<vmem>>, vector<16xi32>,
      %scan3A_116 = arith.constant 0 : i32
      %scan3A_117 = arith.constant 0 : i32
      %scan3A_118 = arith.constant 4 : i32
      %scan3A_119 = arith.addi %scan3A_117, %scan3A_118 : i32
      %scan3A_120 = arith.constant 1 : i32
      scf.for %scan3A_122 = %scan3A_117 to %scan3A_119 step %scan3A_120  : i32 {
        %mul3A_123 = arith.constant 16 : i32
        %mul3A_124 = arith.muli %mul3A_123, %scan3A_122 : i32
        %add3A_125 = arith.constant 608 : i32
        %add3A_126 = arith.addi %add3A_125, %mul3A_124 : i32
        %get3A_127 = arith.index_cast %add3A_126 : i32 to index
        %get3A_128 = tpu.vector_load %arg7[%get3A_127] {strides = array<i32>} : memref<1024xi32, #tpu.memory_space<vmem>>, vector<16xi32>,
        %mul3A_129 = arith.constant 16 : i32
        %mul3A_130 = arith.muli %mul3A_129, %scan3A_122 : i32
        %swap3A_131 = arith.constant 2 : i32
        %swap3A_132 = arith.index_cast %swap3A_131 : i32 to index
        %swap3A_133 = arith.index_cast %mul3A_130 : i32 to index
        %swap3A_134 = tpu.vector_load %arg8[%swap3A_132, %swap3A_133] {strides = array<i32>} : memref<8x128xi32, #tpu.memory_space<vmem>>, vector<16xi32>,
        tpu.vector_store %arg8[%swap3A_132, %swap3A_133], %get3A_128 {strides = array<i32>} : memref<8x128xi32, #tpu.memory_space<vmem>>, vector<16xi32>,
      }
      %scan3A_121 = arith.constant 4 : i32
      "tpu.region"() ({
        %run_scoped3A = tpu.sem_alloc : memref<!tpu.dma_semaphore, #tpu.memory_space<semaphore_mem>>
        tpu.enqueue_dma source(%arg8 : memref<8x128xi32, #tpu.memory_space<vmem>>) target(%arg3 : memref<8x128xi32, #tpu.memory_space<hbm>>) target_semaphore(%run_scoped3A : memref<!tpu.dma_semaphore, #tpu.memory_space<semaphore_mem>>)
        tpu.wait_dma2 semaphore(%run_scoped3A : memref<!tpu.dma_semaphore, #tpu.memory_space<semaphore_mem>>) src(%arg8 : memref<8x128xi32, #tpu.memory_space<vmem>>) dst(%arg3 : memref<8x128xi32, #tpu.memory_space<hbm>>)
        tpu.yield
      }) : () -> ()
    } else {
    }
    return
  }
}

module attributes {stable_mosaic.version = 14 : i64} {
  func.func @_tc_body(%arg0: memref<1x256x256xf32, #tpu.memory_space<vmem>>, %arg1: memref<1x300x4xf32, #tpu.memory_space<vmem>>, %arg2: memref<64x4xf32, #tpu.memory_space<vmem>>, %arg3: memref<8x128xi32, #tpu.memory_space<vmem>>, %arg4: memref<3xf32, #tpu.memory_space<smem>>) attributes {dimension_semantics = [], scalar_prefetch = 0 : i64, scratch_operands = 0 : i64, tpu.core_type = #tpu.core_type<tc>} {
    %get3A = arith.constant 0 : index
    %get3A_0 = arith.constant 0 : index
    %get3A_1 = arith.constant 0 : index
    %get3A_2 = vector.load %arg0[%get3A, %get3A_0, %get3A_1] : memref<1x256x256xf32, #tpu.memory_space<vmem>>, vector<1x256x256xf32>
    %get3A_3 = vector.shape_cast %get3A_2 : vector<1x256x256xf32> to vector<256x256xf32>
    %mul3A = arith.mulf %get3A_3, %get3A_3 : vector<256x256xf32>
    %reduce_sum3A = vector.shape_cast %mul3A : vector<256x256xf32> to vector<1x256x256xf32>
    %reduce_sum3A_4 = arith.constant dense<0.000000e+00> : vector<1xf32>
    %reduce_sum3A_5 = vector.multi_reduction <add>, %reduce_sum3A, %reduce_sum3A_4 [1, 2] : vector<1x256x256xf32> to vector<1xf32>
    %reduce_sum3A_6 = vector.shape_cast %reduce_sum3A_5 : vector<1xf32> to vector<1x1x1xf32>
    %reduce_sum3A_7 = vector.extract %reduce_sum3A_6[0, 0, 0] : f32 from vector<1x1x1xf32>
    %get3A_8 = arith.constant 2 : index
    %get3A_9 = arith.constant 0 : index
    %get3A_10 = vector.load %arg3[%get3A_8, %get3A_9] : memref<8x128xi32, #tpu.memory_space<vmem>>, vector<1x64xi32>
    %iota3A = tpu.iota {dimensions = array<i32: 0>} : vector<300x64xi32>
    %eq3A = vector.broadcast %get3A_10 : vector<1x64xi32> to vector<300x64xi32>
    %eq3A_11 = arith.cmpi eq, %iota3A, %eq3A : vector<300x64xi32>
    %convert_element_type3A = arith.extui %eq3A_11 : vector<300x64xi1> to vector<300x64xi32>
    %convert_element_type3A_12 = arith.sitofp %convert_element_type3A : vector<300x64xi32> to vector<300x64xf32>
    %get3A_13 = arith.constant 0 : index
    %get3A_14 = arith.constant 0 : index
    %get3A_15 = arith.constant 0 : index
    %get3A_16 = vector.load %arg1[%get3A_13, %get3A_14, %get3A_15] : memref<1x300x4xf32, #tpu.memory_space<vmem>>, vector<1x300x4xf32>
    %get3A_17 = vector.shape_cast %get3A_16 : vector<1x300x4xf32> to vector<300x4xf32>
    %transpose3A = tpu.transpose %get3A_17, [1, 0] : vector<300x4xf32> -> vector<4x300xf32>
    %dot_general3A = arith.constant dense<0.000000e+00> : vector<4x64xf32>
    %dot_general3A_18 = tpu.matmul %transpose3A, %convert_element_type3A_12, %dot_general3A {dimension_numbers = #tpu.dot_dimension_numbers<[1], [0], [0], [1], [0, 0, 1, 1], [], []>, precision = #tpu.contract_precision<fp32>, transpose_lhs_hint = false} : vector<4x300xf32>, vector<300x64xf32>, vector<4x64xf32> -> vector<4x64xf32>
    %get3A_19 = arith.constant 0 : index
    %get3A_20 = arith.constant 0 : index
    %get3A_21 = vector.load %arg2[%get3A_19, %get3A_20] : memref<64x4xf32, #tpu.memory_space<vmem>>, vector<64x4xf32>
    %transpose3A_22 = tpu.transpose %get3A_21, [1, 0] : vector<64x4xf32> -> vector<4x64xf32>
    %sub3A = arith.subf %dot_general3A_18, %transpose3A_22 : vector<4x64xf32>
    %abs3A = math.absf %sub3A : vector<4x64xf32>
    %reduce_sum3A_23 = vector.shape_cast %abs3A : vector<4x64xf32> to vector<1x4x64xf32>
    %reduce_sum3A_24 = arith.constant dense<0.000000e+00> : vector<1xf32>
    %reduce_sum3A_25 = vector.multi_reduction <add>, %reduce_sum3A_23, %reduce_sum3A_24 [1, 2] : vector<1x4x64xf32> to vector<1xf32>
    %reduce_sum3A_26 = vector.shape_cast %reduce_sum3A_25 : vector<1xf32> to vector<1x1x1xf32>
    %reduce_sum3A_27 = vector.extract %reduce_sum3A_26[0, 0, 0] : f32 from vector<1x1x1xf32>
    %div3A = arith.constant 6.400000e+01 : f32
    %div3A_28 = arith.divf %reduce_sum3A_27, %div3A : f32
    %slice3A = vector.extract_strided_slice %dot_general3A_18 {offsets = [0, 0], sizes = [1, 64], strides = [1, 1]} : vector<4x64xf32> to vector<1x64xf32>
    %slice3A_29 = vector.extract_strided_slice %dot_general3A_18 {offsets = [1, 0], sizes = [1, 64], strides = [1, 1]} : vector<4x64xf32> to vector<1x64xf32>
    %slice3A_30 = vector.extract_strided_slice %dot_general3A_18 {offsets = [2, 0], sizes = [1, 64], strides = [1, 1]} : vector<4x64xf32> to vector<1x64xf32>
    %slice3A_31 = vector.extract_strided_slice %dot_general3A_18 {offsets = [3, 0], sizes = [1, 64], strides = [1, 1]} : vector<4x64xf32> to vector<1x64xf32>
    %slice3A_32 = vector.extract_strided_slice %transpose3A_22 {offsets = [0, 0], sizes = [1, 64], strides = [1, 1]} : vector<4x64xf32> to vector<1x64xf32>
    %slice3A_33 = vector.extract_strided_slice %transpose3A_22 {offsets = [1, 0], sizes = [1, 64], strides = [1, 1]} : vector<4x64xf32> to vector<1x64xf32>
    %slice3A_34 = vector.extract_strided_slice %transpose3A_22 {offsets = [2, 0], sizes = [1, 64], strides = [1, 1]} : vector<4x64xf32> to vector<1x64xf32>
    %slice3A_35 = vector.extract_strided_slice %transpose3A_22 {offsets = [3, 0], sizes = [1, 64], strides = [1, 1]} : vector<4x64xf32> to vector<1x64xf32>
    %sub3A_36 = arith.subf %slice3A_30, %slice3A : vector<1x64xf32>
    %sub3A_37 = arith.subf %slice3A_31, %slice3A_29 : vector<1x64xf32>
    %mul3A_38 = arith.mulf %sub3A_36, %sub3A_37 : vector<1x64xf32>
    %sub3A_39 = arith.subf %slice3A_34, %slice3A_32 : vector<1x64xf32>
    %sub3A_40 = arith.subf %slice3A_35, %slice3A_33 : vector<1x64xf32>
    %mul3A_41 = arith.mulf %sub3A_39, %sub3A_40 : vector<1x64xf32>
    %min3A = arith.minimumf %slice3A_30, %slice3A_34 : vector<1x64xf32>
    %max3A = arith.maximumf %slice3A, %slice3A_32 : vector<1x64xf32>
    %sub3A_42 = arith.subf %min3A, %max3A : vector<1x64xf32>
    %max3A_43 = arith.constant 0.000000e+00 : f32
    %max3A_44 = vector.broadcast %max3A_43 : f32 to vector<1x64xf32>
    %max3A_45 = arith.maximumf %sub3A_42, %max3A_44 : vector<1x64xf32>
    %min3A_46 = arith.minimumf %slice3A_31, %slice3A_35 : vector<1x64xf32>
    %max3A_47 = arith.maximumf %slice3A_29, %slice3A_33 : vector<1x64xf32>
    %sub3A_48 = arith.subf %min3A_46, %max3A_47 : vector<1x64xf32>
    %max3A_49 = arith.constant 0.000000e+00 : f32
    %max3A_50 = vector.broadcast %max3A_49 : f32 to vector<1x64xf32>
    %max3A_51 = arith.maximumf %sub3A_48, %max3A_50 : vector<1x64xf32>
    %mul3A_52 = arith.mulf %max3A_45, %max3A_51 : vector<1x64xf32>
    %add3A = arith.addf %mul3A_38, %mul3A_41 : vector<1x64xf32>
    %sub3A_53 = arith.subf %add3A, %mul3A_52 : vector<1x64xf32>
    %div3A_54 = arith.divf %mul3A_52, %sub3A_53 : vector<1x64xf32>
    %max3A_55 = arith.maximumf %slice3A_30, %slice3A_34 : vector<1x64xf32>
    %min3A_56 = arith.minimumf %slice3A, %slice3A_32 : vector<1x64xf32>
    %sub3A_57 = arith.subf %max3A_55, %min3A_56 : vector<1x64xf32>
    %max3A_58 = arith.constant 0.000000e+00 : f32
    %max3A_59 = vector.broadcast %max3A_58 : f32 to vector<1x64xf32>
    %max3A_60 = arith.maximumf %sub3A_57, %max3A_59 : vector<1x64xf32>
    %max3A_61 = arith.maximumf %slice3A_31, %slice3A_35 : vector<1x64xf32>
    %min3A_62 = arith.minimumf %slice3A_29, %slice3A_33 : vector<1x64xf32>
    %sub3A_63 = arith.subf %max3A_61, %min3A_62 : vector<1x64xf32>
    %max3A_64 = arith.constant 0.000000e+00 : f32
    %max3A_65 = vector.broadcast %max3A_64 : f32 to vector<1x64xf32>
    %max3A_66 = arith.maximumf %sub3A_63, %max3A_65 : vector<1x64xf32>
    %mul3A_67 = arith.mulf %max3A_60, %max3A_66 : vector<1x64xf32>
    %sub3A_68 = arith.subf %mul3A_67, %sub3A_53 : vector<1x64xf32>
    %div3A_69 = arith.divf %sub3A_68, %mul3A_67 : vector<1x64xf32>
    %sub3A_70 = arith.subf %div3A_54, %div3A_69 : vector<1x64xf32>
    %sub3A_71 = arith.constant 1.000000e+00 : f32
    %sub3A_72 = vector.broadcast %sub3A_71 : f32 to vector<1x64xf32>
    %sub3A_73 = arith.subf %sub3A_72, %sub3A_70 : vector<1x64xf32>
    %reduce_sum3A_74 = vector.shape_cast %sub3A_73 : vector<1x64xf32> to vector<1x1x64xf32>
    %reduce_sum3A_75 = arith.constant dense<0.000000e+00> : vector<1xf32>
    %reduce_sum3A_76 = vector.multi_reduction <add>, %reduce_sum3A_74, %reduce_sum3A_75 [1, 2] : vector<1x1x64xf32> to vector<1xf32>
    %reduce_sum3A_77 = vector.shape_cast %reduce_sum3A_76 : vector<1xf32> to vector<1x1x1xf32>
    %reduce_sum3A_78 = vector.extract %reduce_sum3A_77[0, 0, 0] : f32 from vector<1x1x1xf32>
    %div3A_79 = arith.constant 6.400000e+01 : f32
    %div3A_80 = arith.divf %reduce_sum3A_78, %div3A_79 : f32
    %get3A_81 = arith.constant 0 : index
    %get3A_82 = arith.constant 0 : index
    %get3A_83 = vector.load %arg3[%get3A_81, %get3A_82] : memref<8x128xi32, #tpu.memory_space<vmem>>, vector<1x112xi32>
    %get3A_84 = arith.constant 1 : index
    %get3A_85 = arith.constant 0 : index
    %get3A_86 = vector.load %arg3[%get3A_84, %get3A_85] : memref<8x128xi32, #tpu.memory_space<vmem>>, vector<1x64xi32>
    %concatenate3A = tpu.concatenate %get3A_83, %get3A_86 in 1 : vector<1x112xi32>, vector<1x64xi32> -> vector<1x176xi32>
    %and3A = arith.constant 255 : i32
    %and3A_87 = vector.broadcast %and3A : i32 to vector<1x176xi32>
    %and3A_88 = arith.andi %concatenate3A, %and3A_87 : vector<1x176xi32>
    %shift_right_logical3A = arith.constant 8 : i32
    %shift_right_logical3A_89 = vector.broadcast %shift_right_logical3A : i32 to vector<1x176xi32>
    %shift_right_logical3A_90 = arith.shrui %concatenate3A, %shift_right_logical3A_89 : vector<1x176xi32>
    %iota3A_91 = tpu.iota {dimensions = array<i32: 0>} : vector<256x176xi32>
    %eq3A_92 = vector.broadcast %and3A_88 : vector<1x176xi32> to vector<256x176xi32>
    %eq3A_93 = arith.cmpi eq, %iota3A_91, %eq3A_92 : vector<256x176xi32>
    %convert_element_type3A_94 = arith.extui %eq3A_93 : vector<256x176xi1> to vector<256x176xi32>
    %convert_element_type3A_95 = arith.sitofp %convert_element_type3A_94 : vector<256x176xi32> to vector<256x176xf32>
    %eq3A_96 = vector.broadcast %shift_right_logical3A_90 : vector<1x176xi32> to vector<256x176xi32>
    %eq3A_97 = arith.cmpi eq, %iota3A_91, %eq3A_96 : vector<256x176xi32>
    %convert_element_type3A_98 = arith.extui %eq3A_97 : vector<256x176xi1> to vector<256x176xi32>
    %convert_element_type3A_99 = arith.sitofp %convert_element_type3A_98 : vector<256x176xi32> to vector<256x176xf32>
    %dot_general3A_100 = arith.constant dense<0.000000e+00> : vector<256x176xf32>
    %dot_general3A_101 = tpu.matmul %get3A_3, %convert_element_type3A_95, %dot_general3A_100 {dimension_numbers = #tpu.dot_dimension_numbers<[1], [0], [0], [1], [0, 0, 1, 1], [], []>, transpose_lhs_hint = false} : vector<256x256xf32>, vector<256x176xf32>, vector<256x176xf32> -> vector<256x176xf32>
    %mul3A_102 = arith.mulf %dot_general3A_101, %convert_element_type3A_99 : vector<256x176xf32>
    %reduce_sum3A_103 = arith.constant dense<0.000000e+00> : vector<176xf32>
    %reduce_sum3A_104 = vector.multi_reduction <add>, %mul3A_102, %reduce_sum3A_103 [0] : vector<256x176xf32> to vector<176xf32>
    %broadcast_in_dim3A = vector.shape_cast %reduce_sum3A_104 : vector<176xf32> to vector<1x176xf32>
    %lt3A = arith.constant 131072 : i32
    %lt3A_105 = vector.broadcast %lt3A : i32 to vector<1x176xi32>
    %lt3A_106 = arith.cmpi slt, %concatenate3A, %lt3A_105 : vector<1x176xi32>
    %convert_element_type3A_107 = arith.extui %lt3A_106 : vector<1x176xi1> to vector<1x176xi32>
    %convert_element_type3A_108 = arith.sitofp %convert_element_type3A_107 : vector<1x176xi32> to vector<1x176xf32>
    %iota3A_109 = tpu.iota {dimensions = array<i32: 1>} : vector<1x176xi32>
    %lt3A_110 = arith.constant 80 : i32
    %lt3A_111 = vector.broadcast %lt3A_110 : i32 to vector<1x176xi32>
    %lt3A_112 = arith.cmpi slt, %iota3A_109, %lt3A_111 : vector<1x176xi32>
    %convert_element_type3A_113 = arith.extui %lt3A_112 : vector<1x176xi1> to vector<1x176xi32>
    %convert_element_type3A_114 = arith.sitofp %convert_element_type3A_113 : vector<1x176xi32> to vector<1x176xf32>
    %lt3A_115 = arith.constant 112 : i32
    %lt3A_116 = vector.broadcast %lt3A_115 : i32 to vector<1x176xi32>
    %lt3A_117 = arith.cmpi slt, %iota3A_109, %lt3A_116 : vector<1x176xi32>
    %sub3A_118 = arith.subf %broadcast_in_dim3A, %convert_element_type3A_114 : vector<1x176xf32>
    %mul3A_119 = arith.mulf %convert_element_type3A_108, %sub3A_118 : vector<1x176xf32>
    %mul3A_120 = arith.mulf %mul3A_119, %sub3A_118 : vector<1x176xf32>
    %jit3A = arith.constant 0.000000e+00 : f32
    %broadcast_in_dim3A_121 = vector.broadcast %jit3A : f32 to vector<1x176xf32>
    %select_n3A = arith.select %lt3A_117, %mul3A_120, %broadcast_in_dim3A_121 : vector<1x176xi1>, vector<1x176xf32>
    %reduce_sum3A_122 = vector.shape_cast %select_n3A : vector<1x176xf32> to vector<1x1x176xf32>
    %reduce_sum3A_123 = arith.constant dense<0.000000e+00> : vector<1xf32>
    %reduce_sum3A_124 = vector.multi_reduction <add>, %reduce_sum3A_122, %reduce_sum3A_123 [1, 2] : vector<1x1x176xf32> to vector<1xf32>
    %reduce_sum3A_125 = vector.shape_cast %reduce_sum3A_124 : vector<1xf32> to vector<1x1x1xf32>
    %reduce_sum3A_126 = vector.extract %reduce_sum3A_125[0, 0, 0] : f32 from vector<1x1x1xf32>
    %mul3A_127 = arith.constant 2.000000e+00 : f32
    %mul3A_128 = vector.broadcast %mul3A_127 : f32 to vector<1x176xf32>
    %mul3A_129 = arith.mulf %mul3A_128, %broadcast_in_dim3A : vector<1x176xf32>
    %sub3A_130 = arith.constant 1.000000e+00 : f32
    %sub3A_131 = vector.broadcast %sub3A_130 : f32 to vector<1x176xf32>
    %sub3A_132 = arith.subf %sub3A_131, %mul3A_129 : vector<1x176xf32>
    %mul3A_133 = arith.mulf %convert_element_type3A_108, %sub3A_132 : vector<1x176xf32>
    %jit3A_134 = arith.constant 0.000000e+00 : f32
    %broadcast_in_dim3A_135 = vector.broadcast %jit3A_134 : f32 to vector<1x176xf32>
    %select_n3A_136 = arith.select %lt3A_117, %broadcast_in_dim3A_135, %mul3A_133 : vector<1x176xi1>, vector<1x176xf32>
    %reduce_sum3A_137 = vector.shape_cast %select_n3A_136 : vector<1x176xf32> to vector<1x1x176xf32>
    %reduce_sum3A_138 = arith.constant dense<0.000000e+00> : vector<1xf32>
    %reduce_sum3A_139 = vector.multi_reduction <add>, %reduce_sum3A_137, %reduce_sum3A_138 [1, 2] : vector<1x1x176xf32> to vector<1xf32>
    %reduce_sum3A_140 = vector.shape_cast %reduce_sum3A_139 : vector<1xf32> to vector<1x1x1xf32>
    %reduce_sum3A_141 = vector.extract %reduce_sum3A_140[0, 0, 0] : f32 from vector<1x1x1xf32>
    %get3A_142 = arith.constant 1 : index
    %get3A_143 = arith.constant 64 : index
    %get3A_144 = vector.load %arg3[%get3A_142, %get3A_143] : memref<8x128xi32, #tpu.memory_space<vmem>>, vector<1x16xi32>
    %reduce_max3A = vector.shape_cast %get3A_144 : vector<1x16xi32> to vector<1x1x16xi32>
    %reduce_max3A_145 = arith.constant dense<-2147483648> : vector<1xi32>
    %reduce_max3A_146 = vector.multi_reduction <maxsi>, %reduce_max3A, %reduce_max3A_145 [1, 2] : vector<1x1x16xi32> to vector<1xi32>
    %reduce_max3A_147 = vector.shape_cast %reduce_max3A_146 : vector<1xi32> to vector<1x1x1xi32>
    %reduce_max3A_148 = vector.extract %reduce_max3A_147[0, 0, 0] : i32 from vector<1x1x1xi32>
    %lt3A_149 = arith.constant 64 : i32
    %lt3A_150 = arith.cmpi slt, %reduce_max3A_148, %lt3A_149 : i32
    %add3A_151 = arith.addf %reduce_sum3A_7, %reduce_sum3A_141 : f32
    %select_n3A_152 = arith.select %lt3A_150, %add3A_151, %reduce_sum3A_126 : f32
    %div3A_153 = arith.constant 6.400000e+01 : f32
    %div3A_154 = arith.divf %select_n3A_152, %div3A_153 : f32
    %swap3A = arith.constant 0 : index
    %swap3A_155 = memref.load %arg4[%swap3A] : memref<3xf32, #tpu.memory_space<smem>>
    memref.store %div3A_28, %arg4[%swap3A] : memref<3xf32, #tpu.memory_space<smem>>
    %swap3A_156 = arith.constant 1 : index
    %swap3A_157 = memref.load %arg4[%swap3A_156] : memref<3xf32, #tpu.memory_space<smem>>
    memref.store %div3A_80, %arg4[%swap3A_156] : memref<3xf32, #tpu.memory_space<smem>>
    %swap3A_158 = arith.constant 2 : index
    %swap3A_159 = memref.load %arg4[%swap3A_158] : memref<3xf32, #tpu.memory_space<smem>>
    memref.store %div3A_154, %arg4[%swap3A_158] : memref<3xf32, #tpu.memory_space<smem>>
    return
  }
}

</mosaic_0001>

<sc_bundles>
// kernel: kernel.4.cloned.1.call-start
scs
__scs_entry_jumppad:
0x0: {  	(pc) =	sbr.rel $0x88, $3  }
0x1: {  	(tag) =	ssettag $0x0;
	lr =	simm.s32 $0x1  }
0x2: {  	[smem:$0x3F9A] =	sst lr;
	_ =	strace $0xD0000000  }
0x3: {  	_ = 	snop  }
0x4: {  	_ = 	snop  }
0x5: {  	_ = 	snop  }
0x6: {  	_ = 	snop  }
0x7: {  	_ = 	snop  }
__scs_overlays_trampoline_lowered:
0x8: {  	[smem:$0x3FA9] =	sst s0  }
0x9: {  	[smem:$0x3FAA] =	sst s1  }
0xa: {  	[smem:$0x3FAB] =	sst s2  }
0xb: {  	[smem:$0x3FAC] =	sst s3  }
0xc: {  	[smem:$0x3FAD] =	sst s4  }
0xd: {  	[smem:$0x3FAE] =	sst s5  }
0xe: {  	[smem:$0x3FAF] =	sst s6  }
0xf: {  	[smem:$0x3FB0] =	sst s7  }
0x10: {  	[smem:$0x3FB1] =	sst s8  }
0x11: {  	[smem:$0x3FB2] =	sst s9;
	s0 =	simm.s32 @!p0 $0x0  }
0x12: {  	s1 =	sld [smem:$0x3F98];
	s0 =	simm.s32 @p0 $0x1  }
0x13: {  	[smem:$0x3FB3] =	sst s0;
	s0 =	simm.s32 @!p1 $0x0  }
0x14: {  	s2 =	sld [smem:$0x3F97];
	s0 =	simm.s32 @p1 $0x1  }
0x15: {  	[smem:$0x3FB4] =	sst s0;
	s0 =	simm.s32 @!p2 $0x0  }
0x16: {  	s3 =	sld [smem:$0x3FDB];
	s0 =	simm.s32 @p2 $0x1  }
0x17: {  	s4 =	simm.s32 $0x1BF5;
	[smem:$0x3FB6] =	sst s0  }
0x18: {  	s0 =	sld [smem:$0x3F99];
	_ =	swait.ge [sflag:s4], $0x0  }
0x19: {  	s7 =	sld [smem:$0x3F9A]  }
0x1a: {  	s8 =	sadd.s32 $0xFFFFE003, lr  }
0x1b: {  	s9 =	sadd.s32 $0xFFFFFEF7, lr;
	s5 =	simm.s32 $0xFFFFFFFF;
	p2 =	slt.u32 s8, $0xFFFFF086  }
0x1c: {  	p1 =	slt.u32 s9, $0xF7A;
	s5 =	simm.s32 @!p2 $0x0  }
0x1d: {  	s5 =	simm.s32 @p1 $0x1;
	p0 =	seq.s32 s7, s2  }
0x1e: {  	s7 =	smul.u32 @!p0 $0xF7A, s2;
	p2 =	seq.s32 @!p0 s5, $0x0  }
0x1f: {  	s9 =	smul.u32 $0xF7A, s1;
	s8 =	simm.s32 @!p0 $0x1BF5;
	p2 =	por !p2, p0  }
0x20: {  	[sflag:s8] =	ssyncset.s32 @!p0 $0xFFFFF086;
	s6 =	sadd.s32 @!p0 s3, s7;
	s7 =	simm.s32 @!p0 $0x108  }
0x21: {  	s3 =	sadd.s32 s3, s9;
	s6 =	sadd.s32 @!p0 $0x88, s6;
	s7 =	simm.s32 @p2 $0x1082  }
0x22: {  	[simem:s7], [sflag:s8] =	dma.local @!p0 [hbm:s6], $0xF7A  }
0x23: {  	s9 =	sor.u32 $0xD0000000, s2;
	s6 =	simm.s32 $0x108;
	_ =	swait.ge @!p0 [sflag:s8], $0x0  }
0x24: {  	s3 =	sadd.s32 $0x88, s3;
	s6 =	simm.s32 @!p1 $0x1082;
	[sflag:s4] =	ssyncset.s32 $0xFFFFF086  }
0x25: {  	[simem:s6], [sflag:s4] =	dma.local [hbm:s3], $0xF7A  }
0x26: {  	[smem:$0x3F9A] =	sst s1;
	(tag) =	ssettag s2;
	_ =	strace s9  }
0x27: {  	s1 =	sld [smem:$0x3FAA]  }
0x28: {  	s2 =	sld [smem:$0x3FAB]  }
0x29: {  	s4 =	sld [smem:$0x3FAD]  }
0x2a: {  	p0 =	seq.s32 s5, $0x0;
	s5 =	sld [smem:$0x3FAE]  }
0x2b: {  	s6 =	sld [smem:$0x3FAF]  }
0x2c: {  	s7 =	sld [smem:$0x3FB0]  }
0x2d: {  	s3 =	simm.s32 $0x108;
	s8 =	sld [smem:$0x3FB1]  }
0x2e: {  	s3 =	simm.s32 @!p0 $0x1082;
	s9 =	sld [smem:$0x3FB2]  }
0x2f: {  	lr =	sadd.s32 s0, s3;
	s0 =	sld [smem:$0x3FA9]  }
0x30: {  	s3 =	sld [smem:$0x3FAC]  }
0x31: {  	[smem:$0x3FB5] =	sst s10  }
0x32: {  	s10 =	sld [smem:$0x3FB3];
	_ =	sdelay $0x3  }
0x33: {  	p0 =	seq.s32 s10, $0x1;
	s10 =	sld [smem:$0x3FB5];
	_ =	sdelay $0x3  }
0x34: {  	[smem:$0x3FB5] =	sst s10  }
0x35: {  	s10 =	sld [smem:$0x3FB4];
	_ =	sdelay $0x3  }
0x36: {  	p1 =	seq.s32 s10, $0x1;
	s10 =	sld [smem:$0x3FB5];
	_ =	sdelay $0x3  }
0x37: {  	[smem:$0x3FB5] =	sst s10  }
0x38: {  	s10 =	sld [smem:$0x3FB6]  }
0x39: {  	_ = 	snop;
	(pc) =	sbr.ind lr, $3  }
0x3a: {  	_ = 	snop  }
0x3b: {  	_ = 	snop  }
0x3c: {  	p2 =	seq.s32 s10, $0x1;
	s10 =	sld [smem:$0x3FB5]  }
0x3d: {  	_ =	shalt  }
0x3e: {  	_ =	shalt  }
0x3f: {  	_ =	shalt  }
0x40: {  	_ =	shalt  }
0x41: {  	_ =	shalt  }
0x42: {  	_ =	shalt  }
0x43: {  	_ =	shalt  }
0x44: {  	_ =	shalt  }
0x45: {  	_ =	shalt  }
0x46: {  	_ =	shalt  }
0x47: {  	_ =	shalt  }
0x48: {  	_ =	shalt  }
0x49: {  	_ =	shalt  }
0x4a: {  	_ =	shalt  }
0x4b: {  	_ =	shalt  }
0x4c: {  	_ =	shalt  }
0x4d: {  	_ =	shalt  }
0x4e: {  	_ =	shalt  }
0x4f: {  	_ =	shalt  }
0x50: {  	_ =	shalt  }
0x51: {  	_ =	shalt  }
0x52: {  	_ =	shalt  }
0x53: {  	_ =	shalt  }
0x54: {  	_ =	shalt  }
0x55: {  	_ =	shalt  }
0x56: {  	_ =	shalt  }
0x57: {  	_ =	shalt  }
0x58: {  	_ =	shalt  }
0x59: {  	_ =	shalt  }
0x5a: {  	_ =	shalt  }
0x5b: {  	_ =	shalt  }
0x5c: {  	_ =	shalt  }
0x5d: {  	_ =	shalt  }
0x5e: {  	_ =	shalt  }
0x5f: {  	_ =	shalt  }
0x60: {  	_ =	shalt  }
0x61: {  	_ =	shalt  }
0x62: {  	_ =	shalt  }
0x63: {  	_ =	shalt  }
0x64: {  	_ =	shalt  }
0x65: {  	_ =	shalt  }
0x66: {  	_ =	shalt  }
0x67: {  	_ =	shalt  }
0x68: {  	_ =	shalt  }
0x69: {  	_ =	shalt  }
0x6a: {  	_ =	shalt  }
0x6b: {  	_ =	shalt  }
0x6c: {  	_ =	shalt  }
0x6d: {  	_ =	shalt  }
0x6e: {  	_ =	shalt  }
0x6f: {  	_ =	shalt  }
0x70: {  	_ =	shalt  }
0x71: {  	_ =	shalt  }
0x72: {  	_ =	shalt  }
0x73: {  	_ =	shalt  }
0x74: {  	_ =	shalt  }
0x75: {  	_ =	shalt  }
0x76: {  	_ =	shalt  }
0x77: {  	_ =	shalt  }
0x78: {  	_ =	shalt  }
0x79: {  	_ =	shalt  }
0x7a: {  	_ =	shalt  }
0x7b: {  	_ =	shalt  }
0x7c: {  	_ =	shalt  }
0x7d: {  	_ =	shalt  }
0x7e: {  	_ =	shalt  }
0x7f: {  	_ =	shalt  }
0x80: {  	_ =	shalt  }
0x81: {  	_ =	shalt  }
0x82: {  	_ =	shalt  }
0x83: {  	_ =	shalt  }
0x84: {  	_ =	shalt  }
0x85: {  	_ =	shalt  }
0x86: {  	_ =	shalt  }
0x87: {  	_ =	shalt  }
.Lfunc_end0:
.L_simem_size_0:
called_computation_lowered:
.L_overlay_start_0:
0x88: {  	s0 =	sld [smem:$0x3FD9]  }
0x89: {  	s1 =	sld [smem:$0x3FFE];
	_ =	sdelay $0x3  }
0x8a: {  	s0 =	sadd.s32 s1, s0  }
0x8b: {  	[smem:$0x3FC1] =	sst s0  }
0x8c: {  	_ = 	snop  }
0x8d: {  	(tm) =	ssettm $0x1  }
0x8e: {  	s15 =	sld [smem:$0x3FFB];
	_ =	sdelay $0x3  }
0x8f: {  	_ =	strace s15  }
0x90: {  	s0 =	sld [smem:$0x3FFC];
	_ =	sdelay $0x3  }
0x91: {  	_ =	strace s0  }
0x92: {  	s0 =	sld [smem:$0x3FFD];
	_ =	sdelay $0x3  }
0x93: {  	_ =	strace s0  }
0x94: {  	_ =	strace $0x8FFFFFFF  }
0x95: {  	s16 =	sld [smem:$0x3FDB];
	_ =	sdelay $0x1  }
0x96: {  	s17 =	simm.s32 $_scs_section_size  }
0x97: {  	s2 =	simm.s32 $_size__tile_overlayer_lowered;
	s3 =	simm.s32 $_tile_overlayer_lowered  }
0x98: {  	s20 =	simm.s32 $0x1BFF;
	s19 =	sshll.u32 s3, $0x1;
	s0 =	sadd.s32 s17, s16  }
0x99: {  	s4 =	simm.s32 $0x0;
	s18 =	sshll.u32 s2, $0x1;
	s2 =	sadd.s32 s19, s0  }
0x9a: {  	[timem:s4], [sflag:s20] =	dma.local [hbm:s2], s18  }
0x9b: {  	_ =	swait.ge [sflag:s20], s18  }
0x9c: {  	s1 =	ssub.s32 $0x0, s18;
	[sflag:s20] =	ssyncset.done $0x0  }
0x9d: {  	[sflag:s20] =	ssyncadd.s32 s1;
	_ =	sdelay $0x1  }
0x9e: {  	s21 =	simm.s32 $0x1B8B  }
0x9f: {  	_ =	swait.ge [sflag:s21], $0x1  }
0xa0: {  	[sflag:s21] =	ssyncset.done $0x0  }
0xa1: {  	s23 =	simm.s32 $0x1B8E;
	s22 =	sld [smem:$0x3FFE];
	[sflag:s21] =	ssyncadd.s32 $0xFFFFFFFF  }
0xa2: {  	s24 =	simm.s32 $execute0_lowered;
	[smem:$0x3FD2] =	sst s23  }
0xa3: {  	s2 =	sshll.u32 s24, $0x1;
	_ =	strace $0x80000046;
	[dreg:$0x1] =	wrdreg $0xFFFFFFFF  }
0xa4: {  	s25 =	simm.s32 $_size_execute0_lowered;
	s0 =	sadd.s32 s0, s2;
	[dreg:$0x0] =	wrdreg $0x0  }
0xa5: {  	s2 =	sshll.u32 s25, $0x1;
	[dreg:$0x2] =	wrdreg s0  }
0xa6: {  	[dreg:$0x3] =	wrdreg s2  }
0xa7: {  	[dreg:$0x4] =	wrdreg $0xC0  }
0xa8: {  	_ =	task [dreg:s4], $0x5FFFF  }
0xa9: {  	[dreg:$0x1] =	wrdreg $0xFFFFFFFF  }
0xaa: {  	[dreg:$0x0] =	wrdreg $0x60  }
0xab: {  	[dreg:$0x2] =	wrdreg s22  }
0xac: {  	[dreg:$0x3] =	wrdreg $0x9  }
0xad: {  	_ =	task.clear_ibuf [dreg:s4], $0x4FFFF;
	_ =	strace $0x90000046  }
0xae: {  	s26 =	simm.s32 $0x9;
	_ =	strace $0x80000048  }
0xaf: {  	_ =	swait.ge [sflag:s26], $0x1  }
0xb0: {  	[sflag:s26] =	ssyncadd.s32 $0xFFFFFFFF  }
0xb1: {  	_ =	strace $0x90000048  }
0xb2: {  	_ =	sfence  }
0xb3: {  	s28 =	sld [smem:$0x0];
	_ =	sdelay $0x1  }
0xb4: {  	s29 =	srdreg.scid  }
0xb5: {  	s30 =	sshll.u32 s29, $0xD;
	s31 =	sshrl.u32 s29, $0x2  }
0xb6: {  	s1 =	sand.u32 $0x1, s29;
	s2 =	sand.u32 $0x4000, s30;
	s0 =	sadd.s32 s31, s28  }
0xb7: {  	s1 =	sor.u32 s2, s1;
	s0 =	sshll.u32 s0, $0x11  }
0xb8: {  	s0 =	sor.u32 s0, s1  }
0xb9: {  	s0 =	sadd.s32 $0x8F2B, s0  }
0xba: {  	[sflag:s0] =	ssyncadd.remote.s32 $0x1  }
0xbb: {  	_ =	sfence.sel $0xFFFF  }
0xbc: {  	[dreg:$0x0] =	wrdreg $0xFFFFFFFF;
	(pc) =	sbr.abs _section_cstart, $3  }
0xbd: {  	[dreg:$0x1] =	wrdreg $0xFFFFFFFF  }
0xbe: {  	_ =	task.clear_ibuf [dreg:s4], $0x2FFFF;
	_ =	strace $0x9FFFFFFF  }
0xbf: {  	(tm) =	ssettm $0x7FFFFFFF  }
tec
execute0_lowered:
.L_overlay_start_1:
0x0: {  	(tag) =	ssettag $0x1  }
0x1: {  	s1 =	rddreg [dreg:$0x0];
	s2 =	stileid.u32  }
0x2: {  	s0 =	rddreg [dreg:$0x1];
	_ =	strace $0x80000047;
	p0 =	sne.s32 s2, $0x0  }
0x3: {  	_ =	sfence.sel @p0 $0x180000  }
0x4: {  	[bflag:$0x0] =	sbarrier.arrive @p0 $0xFFFF  }
0x5: {  	_ =	strace @p0 $0x90000047  }
0x6: {  	[bflag:$0x2] =	sbarrier.arrive @p0 $0xFFFF  }
0x7: {  	_ =	shalt @p0  }
.LBB2_1:
0x8: {  	s3 =	sadd.s32 $0xA00, s1  }
0x9: {  	s2 =	simm.s32 $0x0;
	s4 =	simm.s32 $0x10100;
	s31 =	simm.s32 $0x1  }
0xa: {  	[tilespmem:s4], [sflag:$0x1] =	stream.linear.gather [hbm4b:s3+s2], $0x400, $0x38;
	[tilespmem:$0x10900] =	vst v63  }
0xb: {  	_ =	swait.ge [sflag:s31], $0x400  }
0xc: {  	[sflag:s31] =	ssyncset.done $0x0  }
0xd: {  	[sflag:s31] =	ssyncadd.s32 $0xFFFFFC00  }
0xe: {  	v0 =	vld [tilespmem:$0x10360];
	_ =	sdelay $0x4  }
0xf: {  	v1 =	vadd.s32 $0x12C, v0;
	_ =	sdelay $0x2  }
0x10: {  	v2 =	vld [tilespmem:$0x10370]  }
0x11: {  	v0 =	vld.idx.msk [tilespmem:v0+s4+$0x0], $0xffff  }
0x12: {  	v1 =	vld.idx.msk [tilespmem:v1+s4+$0x0], $0xffff;
	_ =	sdelay $0x2  }
0x13: {  	v3 =	vadd.s32 $0x12C, v2  }
0x14: {  	v0 =	vshll.u32 v0, $0x8  }
0x15: {  	v0 =	vadd.s32 v1, v0  }
0x16: {  	[tilespmem:$0x10000] =	vst v0;
	v0 =	vld [tilespmem:$0x10380]  }
0x17: {  	v1 =	vld.idx.msk [tilespmem:v2+s4+$0x0], $0xffff  }
0x18: {  	v2 =	vld.idx.msk [tilespmem:v3+s4+$0x0], $0xffff;
	_ =	sdelay $0x2  }
0x19: {  	v3 =	vadd.s32 $0x12C, v0  }
0x1a: {  	v1 =	vshll.u32 v1, $0x8  }
0x1b: {  	v1 =	vadd.s32 v2, v1  }
0x1c: {  	[tilespmem:$0x10010] =	vst v1;
	v1 =	vld [tilespmem:$0x10390]  }
0x1d: {  	v0 =	vld.idx.msk [tilespmem:v0+s4+$0x0], $0xffff  }
0x1e: {  	v2 =	vld.idx.msk [tilespmem:v3+s4+$0x0], $0xffff;
	_ =	sdelay $0x2  }
0x1f: {  	v3 =	vadd.s32 $0x12C, v1  }
0x20: {  	v0 =	vshll.u32 v0, $0x8  }
0x21: {  	v0 =	vadd.s32 v2, v0  }
0x22: {  	[tilespmem:$0x10020] =	vst v0;
	v0 =	vld [tilespmem:$0x103B0]  }
0x23: {  	v1 =	vld.idx.msk [tilespmem:v1+s4+$0x0], $0xffff  }
0x24: {  	v2 =	vld.idx.msk [tilespmem:v3+s4+$0x0], $0xffff;
	_ =	sdelay $0x2  }
0x25: {  	v3 =	vadd.s32 $0x12C, v0  }
0x26: {  	v1 =	vshll.u32 v1, $0x8  }
0x27: {  	v1 =	vadd.s32 v2, v1  }
0x28: {  	[tilespmem:$0x10030] =	vst v1;
	v1 =	vld [tilespmem:$0x103C0]  }
0x29: {  	v0 =	vld.idx.msk [tilespmem:v0+s4+$0x0], $0xffff  }
0x2a: {  	v2 =	vld.idx.msk [tilespmem:v3+s4+$0x0], $0xffff;
	_ =	sdelay $0x2  }
0x2b: {  	v3 =	vadd.s32 $0x12C, v1  }
0x2c: {  	v4 =	vld [tilespmem:$0x103A0];
	v0 =	vshll.u32 v0, $0x8  }
0x2d: {  	v0 =	vadd.s32 v2, v0  }
0x2e: {  	[tilespmem:$0x10050] =	vst v0  }
0x2f: {  	v1 =	vld.idx.msk [tilespmem:v1+s4+$0x0], $0xffff  }
0x30: {  	v2 =	vld.idx.msk [tilespmem:v3+s4+$0x0], $0xffff  }
0x31: {  	v3 =	vshll.u32 v4, $0x2  }
0x32: {  	v4 =	vadd.s32 $0x2D0, v3  }
0x33: {  	v5 =	vadd.s32 $0x2D1, v3  }
0x34: {  	v6 =	vadd.s32 $0x2D3, v3;
	v1 =	vshll.u32 v1, $0x8  }
0x35: {  	v1 =	vadd.s32 v2, v1;
	v2 =	vadd.s32 $0x2D2, v3  }
0x36: {  	[tilespmem:$0x10060] =	vst v1  }
0x37: {  	v1 =	vld.idx.msk [tilespmem:v4+s4+$0x0], $0xffff  }
0x38: {  	v3 =	vld.idx.msk [tilespmem:v5+s4+$0x0], $0xffff  }
0x39: {  	v63 =	vld.idx.msk [tilespmem:v6+s4+$0x0], $0xffff  }
0x3a: {  	v2 =	vld.idx.msk [tilespmem:v2+s4+$0x0], $0xffff;
	_ =	sdelay $0x3  }
0x3b: {  	v3 =	vadd.f32 v63, v3  }
0x3c: {  	v1 =	vadd.f32 v2, v1  }
0x3d: {  	v2 =	vmul.f32 $1.280000000e+02, v3  }
0x3e: {  	v1 =	vmul.f32 $1.280000000e+02, v1  }
0x3f: {  	v2 =	vtrunc.f32 v2  }
0x40: {  	v2 =	vcvt.f32.s32 v2;
	v1 =	vtrunc.f32 v1  }
0x41: {  	v1 =	vcvt.f32.s32 v1  }
0x42: {  	vm0 =	vgt.s32 v2, $0x0  }
0x43: {  	v2 =	vnsel vm0, $0x0, v2;
	vm0 =	vgt.s32 v1, $0x0  }
0x44: {  	v2 =	vmin.u32 v2, $0xFF;
	v1 =	vnsel vm0, $0x0, v1  }
0x45: {  	v2 =	vshll.u32 v2, $0x8;
	v1 =	vmin.u32 v1, $0xFF  }
0x46: {  	v2 =	vor.u32 v1, v2;
	v1 =	vlaneseq.u32  }
0x47: {  	[tilespmem:$0x10040] =	vst v2;
	v2 =	vor.u32 $0x50, v1  }
0x48: {  	[tilespmem:v0+s2+$0x0] =	vst.idx.msk $0xffff, v2  }
0x49: {  	v0 =	vld [tilespmem:$0x10060];
	_ =	sdelay $0x6  }
0x4a: {  	v2 =	vor.u32 $0x60, v1  }
0x4b: {  	[tilespmem:v0+s2+$0x0] =	vst.idx.msk $0xffff, v2  }
0x4c: {  	v0 =	vld [tilespmem:$0x10000];
	_ =	sdelay $0x7  }
0x4d: {  	[tilespmem:v0+s2+$0x0] =	vst.idx.msk $0xffff, v1  }
0x4e: {  	v0 =	vld [tilespmem:$0x10010];
	_ =	sdelay $0x6  }
0x4f: {  	v2 =	vor.u32 $0x10, v1  }
0x50: {  	[tilespmem:v0+s2+$0x0] =	vst.idx.msk $0xffff, v2  }
0x51: {  	v0 =	vld [tilespmem:$0x10020];
	_ =	sdelay $0x6  }
0x52: {  	v2 =	vor.u32 $0x20, v1  }
0x53: {  	[tilespmem:v0+s2+$0x0] =	vst.idx.msk $0xffff, v2  }
0x54: {  	v0 =	vld [tilespmem:$0x10030];
	_ =	sdelay $0x6  }
0x55: {  	v2 =	vor.u32 $0x30, v1  }
0x56: {  	[tilespmem:v0+s2+$0x0] =	vst.idx.msk $0xffff, v2  }
0x57: {  	v0 =	vld [tilespmem:$0x10040];
	_ =	sdelay $0x6  }
0x58: {  	s1 =	sadd.s32 $0xC00, s1;
	s5 =	simm.s32 $0x0;
	v3 =	vor.u32 $0x40, v1  }
0x59: {  	s6 =	simm.s32 $0x0;
	s3 =	simm.s32 $0x10000;
	s4 =	simm.s32 $0x10500;
	vm0 =	vmxor vm0, vm0;
	v2 =	vimm.s32 $0x0;
	[tilespmem:v0+s2+$0x0] =	vst.idx.msk $0xffff, v3;
	v0 =	vimm.s32 $0x0  }
.LBB2_2:
0x5a: {  	v3 =	vld [tilespmem:s3+$0x0];
	_ =	sdelay $0x7  }
0x5b: {  	v4 =	vld.idx.msk [tilespmem:v3+s2+$0x0], $0xffff;
	_ =	sdelay $0x1  }
0x5c: {  	p0 =	slt.u32 s6, $0x5;
	vm1 =	vmmov vm0  }
0x5d: {  	vm1 =	vmneg @p0 vm1;
	p0 =	sne.s32 s6, $0x6  }
.Ltmp0:
0x5e: {  	v5 =	vor.u32 s5, v1;
	(pc) =	sbr.rel @p0 .LBB2_2-.Ltmp0, $4  }
0x5f: {  	vm2 =	veq.s32 v4, v5  }
0x60: {  	v3 =	vnsel vm2, $0x20000, v3;
	vm1 =	vmand vm1, vm2  }
0x61: {  	s3 =	sadd.s32 $0x10, s3;
	[tilespmem:s4+$0x0] =	vst v3;
	v3 =	vsel vm1, $0x1, v2  }
0x62: {  	s5 =	sadd.s32 $0x10, s5;
	s6 =	sadd.s32 $0x1, s6;
	s4 =	sadd.s32 $0x10, s4;
	v0 =	vadd.s32 v3, v0  }
0x63: {  	v1 =	vlaneseq.u32  }
0x64: {  	v2 =	vmov s2;
	v1 =	vmul.u32 $0x4, v1  }
0x65: {  	v2 =	vshll.u32 v2, $0x2  }
0x66: {  	v2 =	vor.u32 v1, v2  }
0x67: {  	v3 =	vadd.s32 $0x2D2, v2  }
0x68: {  	v4 =	vadd.s32 $0x2D1, v2  }
0x69: {  	v5 =	vadd.s32 $0x2D3, v2  }
0x6a: {  	v2 =	vadd.s32 $0x2D0, v2  }
0x6b: {  	s2 =	simm.s32 $0x10100  }
0x6c: {  	v3 =	vld.idx.msk [tilespmem:v3+s2+$0x0], $0xffff  }
0x6d: {  	v4 =	vld.idx.msk [tilespmem:v4+s2+$0x0], $0xffff  }
0x6e: {  	v5 =	vld.idx.msk [tilespmem:v5+s2+$0x0], $0xffff  }
0x6f: {  	v2 =	vld.idx.msk [tilespmem:v2+s2+$0x0], $0xffff;
	_ =	sdelay $0x3  }
0x70: {  	v4 =	vadd.f32 v5, v4  }
0x71: {  	v2 =	vadd.f32 v3, v2  }
0x72: {  	s3 =	simm.s32 $0x10;
	v3 =	vmul.f32 $1.280000000e+02, v4  }
0x73: {  	v4 =	vmov s3;
	v2 =	vmul.f32 $1.280000000e+02, v2  }
0x74: {  	v4 =	vshll.u32 v4, $0x2;
	v3 =	vtrunc.f32 v3  }
0x75: {  	v5 =	vor.u32 v1, v4;
	v4 =	vtrunc.f32 v2;
	v7 =	vcvt.f32.s32 v3  }
0x76: {  	v3 =	vadd.s32 $0x2D1, v5;
	v2 =	vadd.s32 $0x2D3, v5;
	v6 =	vcvt.f32.s32 v4  }
0x77: {  	s5 =	simm.s32 $0x20;
	s4 =	simm.s32 $0x10080;
	s3 =	simm.s32 $0x10080;
	v4 =	vadd.s32 $0x2D0, v5;
	v5 =	vadd.s32 $0x2D2, v5;
	vm0 =	vgt.s32 v7, $0x0  }
.LBB2_4:
0x78: {  	p0 =	sne.s32 s5, $0x30  }
0x79: {  	v7 =	vnsel vm0, $0x0, v7;
	vm0 =	vgt.s32 v6, $0x0;
	s3 =	sadd.s32 $0x10, s3;
	s6 =	smov.u32 s5;
	s5 =	sadd.s32 $0x10, s5  }
0x7a: {  	v7 =	vmin.u32 v7, $0xFF;
	v6 =	vnsel vm0, $0x0, v6  }
0x7b: {  	v6 =	vmin.u32 v6, $0xFF;
	v7 =	vshll.u32 v7, $0x8  }
0x7c: {  	v6 =	vor.u32 v6, v7  }
0x7d: {  	[tilespmem:s4+$0x0] =	vst v6;
	s4 =	smov.u32 s3  }
0x7e: {  	v5 =	vld.idx.msk [tilespmem:v5+s2+$0x0], $0xffff  }
0x7f: {  	v3 =	vld.idx.msk [tilespmem:v3+s2+$0x0], $0xffff  }
0x80: {  	v2 =	vld.idx.msk [tilespmem:v2+s2+$0x0], $0xffff  }
0x81: {  	v4 =	vld.idx.msk [tilespmem:v4+s2+$0x0], $0xffff;
	_ =	sdelay $0x4  }
0x82: {  	v2 =	vadd.f32 v2, v3  }
0x83: {  	v3 =	vadd.f32 v5, v4  }
0x84: {  	v2 =	vmul.f32 $1.280000000e+02, v2  }
.Ltmp1:
0x85: {  	v4 =	vmov s6;
	v3 =	vmul.f32 $1.280000000e+02, v3;
	(pc) =	sbr.rel @p0 .LBB2_4-.Ltmp1, $4  }
0x86: {  	v4 =	vshll.u32 v4, $0x2;
	v2 =	vtrunc.f32 v2  }
0x87: {  	v5 =	vor.u32 v1, v4;
	v7 =	vcvt.f32.s32 v2;
	v4 =	vtrunc.f32 v3  }
0x88: {  	v3 =	vadd.s32 $0x2D1, v5;
	v2 =	vadd.s32 $0x2D3, v5;
	v6 =	vcvt.f32.s32 v4  }
0x89: {  	v4 =	vadd.s32 $0x2D0, v5;
	v5 =	vadd.s32 $0x2D2, v5;
	vm0 =	vgt.s32 v7, $0x0  }
0x8a: {  	v1 =	vnsel vm0, $0x0, v7;
	vm9 =	vgt.s32 v6, $0x0  }
0x8b: {  	v1 =	vmin.u32 v1, $0xFF;
	v6 =	vnsel vm9, $0x0, v6  }
0x8c: {  	v6 =	vmin.u32 v6, $0xFF;
	v1 =	vshll.u32 v1, $0x8  }
0x8d: {  	v1 =	vor.u32 v6, v1  }
0x8e: {  	[tilespmem:s4+$0x0] =	vst v1  }
0x8f: {  	v1 =	vld.idx.msk [tilespmem:v5+s2+$0x0], $0xffff  }
0x90: {  	v3 =	vld.idx.msk [tilespmem:v3+s2+$0x0], $0xffff  }
0x91: {  	v2 =	vld.idx.msk [tilespmem:v2+s2+$0x0], $0xffff  }
0x92: {  	v4 =	vld.idx.msk [tilespmem:v4+s2+$0x0], $0xffff;
	_ =	sdelay $0x3  }
0x93: {  	v2 =	vadd.f32 v2, v3  }
0x94: {  	v1 =	vadd.f32 v1, v4  }
0x95: {  	v2 =	vmul.f32 $1.280000000e+02, v2  }
0x96: {  	v1 =	vmul.f32 $1.280000000e+02, v1  }
0x97: {  	v2 =	vtrunc.f32 v2  }
0x98: {  	v1 =	vtrunc.f32 v1;
	v2 =	vcvt.f32.s32 v2  }
0x99: {  	v1 =	vcvt.f32.s32 v1  }
0x9a: {  	vm10 =	vgt.s32 v2, $0x0  }
0x9b: {  	vm11 =	vgt.s32 v1, $0x0;
	v2 =	vnsel vm10, $0x0, v2  }
0x9c: {  	v1 =	vnsel vm11, $0x0, v1;
	v2 =	vmin.u32 v2, $0xFF  }
0x9d: {  	v1 =	vmin.u32 v1, $0xFF;
	v2 =	vshll.u32 v2, $0x8  }
0x9e: {  	s28 =	sadd.s32 $0x10, s3;
	v1 =	vor.u32 v1, v2  }
0x9f: {  	[tilespmem:s28+$0x0] =	vst v1  }
0xa0: {  	v1 =	vld [tilespmem:$0x10080];
	_ =	sdelay $0x6  }
0xa1: {  	v49 =	vlaneseq.u32;
	s29 =	simm.s32 $0x0  }
0xa2: {  	[tilespmem:v1+s29+$0x0] =	vst.idx.msk $0xffff, v49  }
0xa3: {  	v1 =	vld [tilespmem:$0x10090];
	_ =	sdelay $0x6  }
0xa4: {  	v50 =	vor.u32 $0x10, v49  }
0xa5: {  	[tilespmem:v1+s29+$0x0] =	vst.idx.msk $0xffff, v50  }
0xa6: {  	v1 =	vld [tilespmem:$0x100A0];
	_ =	sdelay $0x6  }
0xa7: {  	v51 =	vor.u32 $0x20, v49  }
0xa8: {  	[tilespmem:v1+s29+$0x0] =	vst.idx.msk $0xffff, v51  }
0xa9: {  	v1 =	vld [tilespmem:$0x100B0];
	_ =	sdelay $0x6  }
0xaa: {  	v52 =	vor.u32 $0x30, v49  }
0xab: {  	[tilespmem:v1+s29+$0x0] =	vst.idx.msk $0xffff, v52  }
0xac: {  	v1 =	vld [tilespmem:$0x10080];
	_ =	sdelay $0x6  }
0xad: {  	v54 =	vld [tilespmem:$0x10090]  }
0xae: {  	v53 =	vld.idx.msk [tilespmem:v1+s29+$0x0], $0xffff;
	_ =	sdelay $0x4  }
0xaf: {  	vm12 =	veq.s32 v53, v49  }
0xb0: {  	v1 =	vnsel vm12, $0x20000, v1  }
0xb1: {  	v55 =	vld [tilespmem:$0x100A0];
	[tilespmem:$0x10580] =	vst v1  }
0xb2: {  	v1 =	vld.idx.msk [tilespmem:v54+s29+$0x0], $0xffff;
	_ =	sdelay $0x4  }
0xb3: {  	vm13 =	veq.s32 v1, v50  }
0xb4: {  	v1 =	vnsel vm13, $0x20000, v54  }
0xb5: {  	v56 =	vld [tilespmem:$0x100B0];
	[tilespmem:$0x10590] =	vst v1  }
0xb6: {  	v1 =	vld.idx.msk [tilespmem:v55+s29+$0x0], $0xffff  }
0xb7: {  	(xrf0) =	vadd.scan.msk.s32 $0xffff, v0;
	_ =	sdelay $0x3  }
0xb8: {  	v57 =	vld [tilespmem:$0x10360];
	vm14 =	veq.s32 v1, v51  }
0xb9: {  	v59 =	vld [tilespmem:$0x10370];
	v1 =	vnsel vm14, $0x20000, v55  }
0xba: {  	v58, _, _ =	vpop (xrf0);
	v62 =	vld [tilespmem:$0x10380];
	[tilespmem:$0x105A0] =	vst v1  }
0xbb: {  	v60 =	vimm.s32 $0x20000;
	v61 =	vbroadcast v58, $0xF;
	v1 =	vld.idx.msk [tilespmem:v56+s29+$0x0], $0xffff  }
0xbc: {  	v63 =	vld [tilespmem:$0x10390];
	[tilespmem:$0x10570] =	vst v60  }
0xbd: {  	[tilespmem:$0x105C0] =	vst v61  }
0xbe: {  	[tilespmem:$0x10600] =	vst v57  }
0xbf: {  	[tilespmem:$0x10610] =	vst v59  }
0xc0: {  	[tilespmem:$0x10620] =	vst v62;
	vm15 =	veq.s32 v1, v52  }
0xc1: {  	[tilespmem:$0x10630] =	vst v63;
	v1 =	vnsel vm15, $0x20000, v56  }
0xc2: {  	s30 =	simm.s32 $0x10500;
	s31 =	simm.s32 $0x1;
	[tilespmem:$0x105B0] =	vst v1  }
0xc3: {  	[hbm4b:s1+s29] =	stream.linear.scatter [tilespmem:s30], [sflag:$0x1], $0x400, $0x38;
	[tilespmem:$0x10900] =	vst v63  }
0xc4: {  	_ =	swait.ge [sflag:s31], $0x400  }
0xc5: {  	[sflag:s31] =	ssyncset.done $0x0  }
0xc6: {  	[sflag:s31] =	ssyncadd.s32 $0xFFFFFC00  }
0xc7: {  	_ =	sfence.sel $0x180000  }
0xc8: {  	[bflag:$0x0] =	sbarrier.arrive $0xFFFF  }
0xc9: {  	_ =	strace $0x90000047  }
0xca: {  	s0 =	sadd.s32 $0x100000, s0;
	[bflag:$0x2] =	sbarrier.arrive $0xFFFF  }
0xcb: {  	[sflag:s0] =	ssyncadd.tile.s32 $0x1;
	_ =	shalt  }
.Lfunc_end2:
_tile_overlayer_lowered:
.L_overlay_start_2:
0xcc: {  	(tag) =	ssettag $0x2  }
0xcd: {  	s0 =	rddreg [dreg:$0x0];
	s2 =	stileid.u32  }
0xce: {  	s1 =	rddreg [dreg:$0x1];
	p0 =	sne.s32 s2, $0x0  }
0xcf: {  	s3 =	rddreg [dreg:$0x2];
	[bflag:$0x3] =	sbarrier.arrive $0xFFFF;
	s2 =	simm.s32 @!p0 $0x1C01  }
0xd0: {  	[timem:s3], [sflag:s2] =	dma.local @!p0 [hbm:s0], s1  }
0xd1: {  	s0 =	simm.s32 @!p0 $0x1  }
0xd2: {  	_ =	swait.ge @!p0 [sflag:s0], s1  }
0xd3: {  	s1 =	ssub.s32 @!p0 $0x0, s1;
	[sflag:s0] =	ssyncset.done @!p0 $0x0  }
0xd4: {  	[sflag:s0] =	ssyncadd.s32 @!p0 s1  }
0xd5: {  	[bflag:$0x3] =	sbarrier.arrive $0xFFFF  }
0xd6: {  	_ =	shalt  }

</sc_bundles>
